<compile_context>
chip_gen: v7x
topology: tpu7x:2x2x1
jax: 0.10.2.dev20260603
libtpu: 0.0.44.dev20260713+nightly
codegen_flags: <defaults>
</compile_context>

<pallas_src>
import functools

import jax
import jax.numpy as jnp
from jax import lax
from jax.experimental import pallas as pl
from jax.experimental.pallas import tpu as pltpu
from jax.experimental.pallas import tpu_sc as plsc

NINP = 64
NC = 2
NS = 16
NW = NC * NS
G = 128
S = 2
R = G * S
NBUF = 4


def _gather_body(n_chunks, table_hbm, idx_hbm, out_hbm, idx_v, rows_v, gsems, osems):
    cid = lax.axis_index("c")
    sid = lax.axis_index("s")
    wid = sid * NC + cid
    crow0 = wid * (n_chunks * S)
    row0 = wid * (n_chunks * R)

    pltpu.sync_copy(idx_hbm.at[pl.ds(crow0, n_chunks * S)], idx_v)

    def fire_gathers(g, b):
        for j in range(S):
            pltpu.async_copy(
                table_hbm.at[idx_v.at[g * S + j]],
                rows_v.at[b].at[pl.ds(j * G, G)],
                gsems[b],
            )

    def drain_gathers(b):
        for j in range(S):
            pltpu.make_async_copy(
                table_hbm.at[pl.ds(0, G)],
                rows_v.at[b].at[pl.ds(j * G, G)],
                gsems[b],
            ).wait()

    def fire_store(g, b):
        pltpu.async_copy(
            rows_v.at[b], out_hbm.at[pl.ds(row0 + g * R, R)], osems[b]
        )

    def drain_store(b):
        pltpu.make_async_copy(
            rows_v.at[b], out_hbm.at[pl.ds(row0, R)], osems[b]
        ).wait()

    n = n_chunks
    fire_gathers(0, 0)
    for b in range(NBUF - 1):
        fire_gathers(b + 1, b + 1)
        drain_gathers(b)
        fire_store(b, b)
    b = NBUF - 1
    drain_store(0)
    fire_gathers(NBUF, 0)
    drain_gathers(b)
    fire_store(b, b)

    def rotation(i, carry):
        for b in range(NBUF):
            g = i * NBUF + b
            b1 = (b + 1) % NBUF
            drain_store(b1)
            fire_gathers(g + 1, b1)
            drain_gathers(b)
            fire_store(g, b)
        return carry

    lax.fori_loop(1, n // NBUF - 1, rotation, 0)

    for b in range(NBUF):
        g = n - NBUF + b
        if b < NBUF - 1:
            b1 = (b + 1) % NBUF
            drain_store(b1)
            fire_gathers(g + 1, b1)
        drain_gathers(b)
        fire_store(g, b)
    for b in range(NBUF):
        drain_store(b)


def kernel(input, word_embed_weight):
    B = input.shape[0] * input.shape[1]
    assert B % (NW * R) == 0
    n_chunks = B // (NW * R)

    idx2 = input.reshape(B // G, G).astype(jnp.int32)

    mesh = plsc.VectorSubcoreMesh(core_axis_name="c", subcore_axis_name="s")
    k = functools.partial(
        pl.kernel,
        mesh=mesh,
        out_type=jax.ShapeDtypeStruct((B, NINP), jnp.float32),
        scratch_types=[
            pltpu.VMEM((n_chunks * S, G), jnp.int32),
            pltpu.VMEM((NBUF, R, NINP), jnp.float32),
            [pltpu.SemaphoreType.DMA] * NBUF,
            [pltpu.SemaphoreType.DMA] * NBUF,
        ],
        compiler_params=pltpu.CompilerParams(use_tc_tiling_on_sc=False),
    )(functools.partial(_gather_body, n_chunks))

    out = k(word_embed_weight, idx2)
    return out.reshape(input.shape[0], input.shape[1], NINP)

# --- scband reference (transcript-rebuilt; emitter-appended) ---
"""Pipeline reference for scband-net-w-6468220748124 (READ-ONLY COPY).

The authoritative reference and input builder live on the scoring server;
editing this copy changes nothing except your own understanding.
"""

import jax, jax.numpy as jnp
import numpy as np

NTOKEN = 1000000
NINP = 64
DROPOUT = 0.0

def setup_inputs(seed: int = 0) -> dict:
    key = jax.random.key(seed)
    k1, k2 = jax.random.split(key)
    input_idx = jax.random.randint(k1, (4096, 200), 0, NTOKEN + 1, dtype=jnp.int64 if jax.config.jax_enable_x64 else jnp.int32)
    # embedding table initialized uniform(-0.1, 0.1) per init_weights
    word_embed_weight = jax.random.uniform(k2, (NTOKEN + 1, NINP), dtype=jnp.float32, minval=-0.1, maxval=0.1)
    return {"input": input_idx, "word_embed_weight": word_embed_weight}

def reference(input, word_embed_weight):
    # format='index' path: out = dropout(embedding(input)); inference mode -> dropout is identity
    out = jnp.take(word_embed_weight, input, axis=0)
    return out

if __name__ == "__main__":
    import jax
    _d = setup_inputs()
    print(jax.jit(kernel)(*tuple(_d.values())))

</pallas_src>

<mosaic_0001>
#map = affine_map<(d0, d1) -> (0, 0)>
module attributes {stable_mosaic.version = 14 : i64} {
  func.func @_gather_body(%arg0: i32, %arg1: i32, %arg2: memref<1000001x64xf32, #tpu.memory_space<hbm>>, %arg3: memref<6400x128xi32, #tpu.memory_space<hbm>>, %arg4: memref<819200x64xf32, #tpu.memory_space<hbm>>, %arg5: memref<200x128xi32, #tpu.memory_space<vmem>>, %arg6: memref<4x256x64xf32, #tpu.memory_space<vmem>>, %arg7: memref<!tpu.dma_semaphore, #tpu.memory_space<semaphore_mem>>, %arg8: memref<!tpu.dma_semaphore, #tpu.memory_space<semaphore_mem>>, %arg9: memref<!tpu.dma_semaphore, #tpu.memory_space<semaphore_mem>>, %arg10: memref<!tpu.dma_semaphore, #tpu.memory_space<semaphore_mem>>, %arg11: memref<!tpu.dma_semaphore, #tpu.memory_space<semaphore_mem>>, %arg12: memref<!tpu.dma_semaphore, #tpu.memory_space<semaphore_mem>>, %arg13: memref<!tpu.dma_semaphore, #tpu.memory_space<semaphore_mem>>, %arg14: memref<!tpu.dma_semaphore, #tpu.memory_space<semaphore_mem>>) attributes {dimension_semantics = [#tpu.dimension_semantics<core_parallel>, #tpu.dimension_semantics<subcore_parallel>], iteration_bounds = array<i64: 2, 16>, scalar_prefetch = 0 : i64, scratch_operands = 10 : i64, tpu.core_type = #tpu.core_type<sc_vector_subcore>, window_params = [{transform_indices = #map}, {transform_indices = #map}, {transform_indices = #map}]} {
    %mul3A = arith.constant 2 : i32
    %mul3A_0 = arith.muli %arg1, %mul3A : i32
    %add3A = arith.addi %mul3A_0, %arg0 : i32
    %mul3A_1 = arith.constant 200 : i32
    %mul3A_2 = arith.muli %add3A, %mul3A_1 : i32
    %mul3A_3 = arith.constant 25600 : i32
    %mul3A_4 = arith.muli %add3A, %mul3A_3 : i32
    "tpu.region"() ({
      %run_scoped3A = tpu.sem_alloc : memref<!tpu.dma_semaphore, #tpu.memory_space<semaphore_mem>>
      %dma_start3A_808 = arith.constant 0 : i32
      %dma_start3A_809 = tpu.memref_slice %arg3[%mul3A_2, %dma_start3A_808] : memref<6400x128xi32, #tpu.memory_space<hbm>> -> memref<200x128xi32, #tpu.memory_space<hbm>>
      %dma_start3A_810 = arith.constant 0 : i32
      %dma_start3A_811 = tpu.memref_slice %arg3[%mul3A_2, %dma_start3A_810] : memref<6400x128xi32, #tpu.memory_space<hbm>> -> memref<200x128xi32, #tpu.memory_space<hbm>>
      tpu.enqueue_dma source(%dma_start3A_811 : memref<200x128xi32, #tpu.memory_space<hbm>>) target(%arg5 : memref<200x128xi32, #tpu.memory_space<vmem>>) target_semaphore(%run_scoped3A : memref<!tpu.dma_semaphore, #tpu.memory_space<semaphore_mem>>)
      %dma_wait3A_812 = arith.constant 0 : i32
      %dma_wait3A_813 = tpu.memref_slice %arg3[%mul3A_2, %dma_wait3A_812] : memref<6400x128xi32, #tpu.memory_space<hbm>> -> memref<200x128xi32, #tpu.memory_space<hbm>>
      %dma_wait3A_814 = arith.constant 0 : i32
      %dma_wait3A_815 = tpu.memref_slice %arg3[%mul3A_2, %dma_wait3A_814] : memref<6400x128xi32, #tpu.memory_space<hbm>> -> memref<200x128xi32, #tpu.memory_space<hbm>>
      tpu.wait_dma2 semaphore(%run_scoped3A : memref<!tpu.dma_semaphore, #tpu.memory_space<semaphore_mem>>) src(%dma_wait3A_815 : memref<200x128xi32, #tpu.memory_space<hbm>>) dst(%arg5 : memref<200x128xi32, #tpu.memory_space<vmem>>)
      tpu.yield
    }) : () -> ()
    %dma_start3A = arith.constant 0 : i32
    %dma_start3A_5 = arith.constant 0 : i32
    %dma_start3A_6 = arith.constant 0 : i32
    %dma_start3A_7 = arith.constant 0 : i32
    %dma_start3A_8 = tpu.memref_slice %arg6[%dma_start3A_5, %dma_start3A_6, %dma_start3A_7] : memref<4x256x64xf32, #tpu.memory_space<vmem>> -> memref<1x256x64xf32, #tpu.memory_space<vmem>>
    %dma_start3A_9 = tpu.memref_squeeze %dma_start3A_8 : memref<1x256x64xf32, #tpu.memory_space<vmem>> -> memref<256x64xf32, #tpu.memory_space<vmem>>
    %dma_start3A_10 = arith.constant 0 : i32
    %dma_start3A_11 = arith.constant 0 : i32
    %dma_start3A_12 = tpu.memref_slice %dma_start3A_9[%dma_start3A_10, %dma_start3A_11] : memref<256x64xf32, #tpu.memory_space<vmem>> -> memref<128x64xf32, #tpu.memory_space<vmem>>
    %dma_start3A_13 = arith.constant 0 : i32
    %dma_start3A_14 = tpu.memref_slice %arg5[%dma_start3A, %dma_start3A_13] : memref<200x128xi32, #tpu.memory_space<vmem>> -> memref<1x128xi32, #tpu.memory_space<vmem>>
    %dma_start3A_15 = tpu.memref_squeeze %dma_start3A_14 : memref<1x128xi32, #tpu.memory_space<vmem>> -> memref<128xi32, #tpu.memory_space<vmem>>
    %dma_start3A_16 = arith.constant 0 : i32
    %dma_start3A_17 = arith.constant 0 : i32
    %dma_start3A_18 = tpu.memref_slice %arg2[%dma_start3A_16, %dma_start3A_17] : memref<1000001x64xf32, #tpu.memory_space<hbm>> -> memref<1000001x64xf32, #tpu.memory_space<hbm>>
    tpu.enqueue_indirect_dma source(%dma_start3A_18 : memref<1000001x64xf32, #tpu.memory_space<hbm>>) target(%dma_start3A_12 : memref<128x64xf32, #tpu.memory_space<vmem>>) offsets(%dma_start3A_15 : memref<128xi32, #tpu.memory_space<vmem>>) semaphore(%arg7 : memref<!tpu.dma_semaphore, #tpu.memory_space<semaphore_mem>>)
    %dma_start3A_19 = arith.constant 1 : i32
    %dma_start3A_20 = arith.constant 0 : i32
    %dma_start3A_21 = arith.constant 0 : i32
    %dma_start3A_22 = arith.constant 0 : i32
    %dma_start3A_23 = tpu.memref_slice %arg6[%dma_start3A_20, %dma_start3A_21, %dma_start3A_22] : memref<4x256x64xf32, #tpu.memory_space<vmem>> -> memref<1x256x64xf32, #tpu.memory_space<vmem>>
    %dma_start3A_24 = tpu.memref_squeeze %dma_start3A_23 : memref<1x256x64xf32, #tpu.memory_space<vmem>> -> memref<256x64xf32, #tpu.memory_space<vmem>>
    %dma_start3A_25 = arith.constant 128 : i32
    %dma_start3A_26 = arith.constant 0 : i32
    %dma_start3A_27 = tpu.memref_slice %dma_start3A_24[%dma_start3A_25, %dma_start3A_26] : memref<256x64xf32, #tpu.memory_space<vmem>> -> memref<128x64xf32, #tpu.memory_space<vmem>>
    %dma_start3A_28 = arith.constant 0 : i32
    %dma_start3A_29 = tpu.memref_slice %arg5[%dma_start3A_19, %dma_start3A_28] : memref<200x128xi32, #tpu.memory_space<vmem>> -> memref<1x128xi32, #tpu.memory_space<vmem>>
    %dma_start3A_30 = tpu.memref_squeeze %dma_start3A_29 : memref<1x128xi32, #tpu.memory_space<vmem>> -> memref<128xi32, #tpu.memory_space<vmem>>
    %dma_start3A_31 = arith.constant 0 : i32
    %dma_start3A_32 = arith.constant 0 : i32
    %dma_start3A_33 = tpu.memref_slice %arg2[%dma_start3A_31, %dma_start3A_32] : memref<1000001x64xf32, #tpu.memory_space<hbm>> -> memref<1000001x64xf32, #tpu.memory_space<hbm>>
    tpu.enqueue_indirect_dma source(%dma_start3A_33 : memref<1000001x64xf32, #tpu.memory_space<hbm>>) target(%dma_start3A_27 : memref<128x64xf32, #tpu.memory_space<vmem>>) offsets(%dma_start3A_30 : memref<128xi32, #tpu.memory_space<vmem>>) semaphore(%arg7 : memref<!tpu.dma_semaphore, #tpu.memory_space<semaphore_mem>>)
    %dma_start3A_34 = arith.constant 2 : i32
    %dma_start3A_35 = arith.constant 1 : i32
    %dma_start3A_36 = arith.constant 0 : i32
    %dma_start3A_37 = arith.constant 0 : i32
    %dma_start3A_38 = tpu.memref_slice %arg6[%dma_start3A_35, %dma_start3A_36, %dma_start3A_37] : memref<4x256x64xf32, #tpu.memory_space<vmem>> -> memref<1x256x64xf32, #tpu.memory_space<vmem>>
    %dma_start3A_39 = tpu.memref_squeeze %dma_start3A_38 : memref<1x256x64xf32, #tpu.memory_space<vmem>> -> memref<256x64xf32, #tpu.memory_space<vmem>>
    %dma_start3A_40 = arith.constant 0 : i32
    %dma_start3A_41 = arith.constant 0 : i32
    %dma_start3A_42 = tpu.memref_slice %dma_start3A_39[%dma_start3A_40, %dma_start3A_41] : memref<256x64xf32, #tpu.memory_space<vmem>> -> memref<128x64xf32, #tpu.memory_space<vmem>>
    %dma_start3A_43 = arith.constant 0 : i32
    %dma_start3A_44 = tpu.memref_slice %arg5[%dma_start3A_34, %dma_start3A_43] : memref<200x128xi32, #tpu.memory_space<vmem>> -> memref<1x128xi32, #tpu.memory_space<vmem>>
    %dma_start3A_45 = tpu.memref_squeeze %dma_start3A_44 : memref<1x128xi32, #tpu.memory_space<vmem>> -> memref<128xi32, #tpu.memory_space<vmem>>
    %dma_start3A_46 = arith.constant 0 : i32
    %dma_start3A_47 = arith.constant 0 : i32
    %dma_start3A_48 = tpu.memref_slice %arg2[%dma_start3A_46, %dma_start3A_47] : memref<1000001x64xf32, #tpu.memory_space<hbm>> -> memref<1000001x64xf32, #tpu.memory_space<hbm>>
    tpu.enqueue_indirect_dma source(%dma_start3A_48 : memref<1000001x64xf32, #tpu.memory_space<hbm>>) target(%dma_start3A_42 : memref<128x64xf32, #tpu.memory_space<vmem>>) offsets(%dma_start3A_45 : memref<128xi32, #tpu.memory_space<vmem>>) semaphore(%arg8 : memref<!tpu.dma_semaphore, #tpu.memory_space<semaphore_mem>>)
    %dma_start3A_49 = arith.constant 3 : i32
    %dma_start3A_50 = arith.constant 1 : i32
    %dma_start3A_51 = arith.constant 0 : i32
    %dma_start3A_52 = arith.constant 0 : i32
    %dma_start3A_53 = tpu.memref_slice %arg6[%dma_start3A_50, %dma_start3A_51, %dma_start3A_52] : memref<4x256x64xf32, #tpu.memory_space<vmem>> -> memref<1x256x64xf32, #tpu.memory_space<vmem>>
    %dma_start3A_54 = tpu.memref_squeeze %dma_start3A_53 : memref<1x256x64xf32, #tpu.memory_space<vmem>> -> memref<256x64xf32, #tpu.memory_space<vmem>>
    %dma_start3A_55 = arith.constant 128 : i32
    %dma_start3A_56 = arith.constant 0 : i32
    %dma_start3A_57 = tpu.memref_slice %dma_start3A_54[%dma_start3A_55, %dma_start3A_56] : memref<256x64xf32, #tpu.memory_space<vmem>> -> memref<128x64xf32, #tpu.memory_space<vmem>>
    %dma_start3A_58 = arith.constant 0 : i32
    %dma_start3A_59 = tpu.memref_slice %arg5[%dma_start3A_49, %dma_start3A_58] : memref<200x128xi32, #tpu.memory_space<vmem>> -> memref<1x128xi32, #tpu.memory_space<vmem>>
    %dma_start3A_60 = tpu.memref_squeeze %dma_start3A_59 : memref<1x128xi32, #tpu.memory_space<vmem>> -> memref<128xi32, #tpu.memory_space<vmem>>
    %dma_start3A_61 = arith.constant 0 : i32
    %dma_start3A_62 = arith.constant 0 : i32
    %dma_start3A_63 = tpu.memref_slice %arg2[%dma_start3A_61, %dma_start3A_62] : memref<1000001x64xf32, #tpu.memory_space<hbm>> -> memref<1000001x64xf32, #tpu.memory_space<hbm>>
    tpu.enqueue_indirect_dma source(%dma_start3A_63 : memref<1000001x64xf32, #tpu.memory_space<hbm>>) target(%dma_start3A_57 : memref<128x64xf32, #tpu.memory_space<vmem>>) offsets(%dma_start3A_60 : memref<128xi32, #tpu.memory_space<vmem>>) semaphore(%arg8 : memref<!tpu.dma_semaphore, #tpu.memory_space<semaphore_mem>>)
    %dma_wait3A = arith.constant 0 : i32
    %dma_wait3A_64 = arith.constant 0 : i32
    %dma_wait3A_65 = arith.constant 0 : i32
    %dma_wait3A_66 = tpu.memref_slice %arg6[%dma_wait3A, %dma_wait3A_64, %dma_wait3A_65] : memref<4x256x64xf32, #tpu.memory_space<vmem>> -> memref<1x256x64xf32, #tpu.memory_space<vmem>>
    %dma_wait3A_67 = tpu.memref_squeeze %dma_wait3A_66 : memref<1x256x64xf32, #tpu.memory_space<vmem>> -> memref<256x64xf32, #tpu.memory_space<vmem>>
    %dma_wait3A_68 = arith.constant 0 : i32
    %dma_wait3A_69 = arith.constant 0 : i32
    %dma_wait3A_70 = tpu.memref_slice %dma_wait3A_67[%dma_wait3A_68, %dma_wait3A_69] : memref<256x64xf32, #tpu.memory_space<vmem>> -> memref<128x64xf32, #tpu.memory_space<vmem>>
    %dma_wait3A_71 = arith.constant 0 : i32
    %dma_wait3A_72 = arith.constant 0 : i32
    %dma_wait3A_73 = tpu.memref_slice %arg2[%dma_wait3A_71, %dma_wait3A_72] : memref<1000001x64xf32, #tpu.memory_space<hbm>> -> memref<128x64xf32, #tpu.memory_space<hbm>>
    %dma_wait3A_74 = arith.constant 0 : i32
    %dma_wait3A_75 = arith.constant 0 : i32
    %dma_wait3A_76 = tpu.memref_slice %arg6[%dma_wait3A, %dma_wait3A_74, %dma_wait3A_75] : memref<4x256x64xf32, #tpu.memory_space<vmem>> -> memref<1x256x64xf32, #tpu.memory_space<vmem>>
    %dma_wait3A_77 = tpu.memref_squeeze %dma_wait3A_76 : memref<1x256x64xf32, #tpu.memory_space<vmem>> -> memref<256x64xf32, #tpu.memory_space<vmem>>
    %dma_wait3A_78 = arith.constant 0 : i32
    %dma_wait3A_79 = arith.constant 0 : i32
    %dma_wait3A_80 = tpu.memref_slice %dma_wait3A_77[%dma_wait3A_78, %dma_wait3A_79] : memref<256x64xf32, #tpu.memory_space<vmem>> -> memref<128x64xf32, #tpu.memory_space<vmem>>
    %dma_wait3A_81 = arith.constant 0 : i32
    %dma_wait3A_82 = arith.constant 0 : i32
    %dma_wait3A_83 = tpu.memref_slice %arg2[%dma_wait3A_81, %dma_wait3A_82] : memref<1000001x64xf32, #tpu.memory_space<hbm>> -> memref<128x64xf32, #tpu.memory_space<hbm>>
    tpu.wait_dma2 semaphore(%arg7 : memref<!tpu.dma_semaphore, #tpu.memory_space<semaphore_mem>>) src(%dma_wait3A_83 : memref<128x64xf32, #tpu.memory_space<hbm>>) dst(%dma_wait3A_80 : memref<128x64xf32, #tpu.memory_space<vmem>>)
    %dma_wait3A_84 = arith.constant 0 : i32
    %dma_wait3A_85 = arith.constant 0 : i32
    %dma_wait3A_86 = arith.constant 0 : i32
    %dma_wait3A_87 = tpu.memref_slice %arg6[%dma_wait3A_84, %dma_wait3A_85, %dma_wait3A_86] : memref<4x256x64xf32, #tpu.memory_space<vmem>> -> memref<1x256x64xf32, #tpu.memory_space<vmem>>
    %dma_wait3A_88 = tpu.memref_squeeze %dma_wait3A_87 : memref<1x256x64xf32, #tpu.memory_space<vmem>> -> memref<256x64xf32, #tpu.memory_space<vmem>>
    %dma_wait3A_89 = arith.constant 128 : i32
    %dma_wait3A_90 = arith.constant 0 : i32
    %dma_wait3A_91 = tpu.memref_slice %dma_wait3A_88[%dma_wait3A_89, %dma_wait3A_90] : memref<256x64xf32, #tpu.memory_space<vmem>> -> memref<128x64xf32, #tpu.memory_space<vmem>>
    %dma_wait3A_92 = arith.constant 0 : i32
    %dma_wait3A_93 = arith.constant 0 : i32
    %dma_wait3A_94 = tpu.memref_slice %arg2[%dma_wait3A_92, %dma_wait3A_93] : memref<1000001x64xf32, #tpu.memory_space<hbm>> -> memref<128x64xf32, #tpu.memory_space<hbm>>
    %dma_wait3A_95 = arith.constant 0 : i32
    %dma_wait3A_96 = arith.constant 0 : i32
    %dma_wait3A_97 = tpu.memref_slice %arg6[%dma_wait3A_84, %dma_wait3A_95, %dma_wait3A_96] : memref<4x256x64xf32, #tpu.memory_space<vmem>> -> memref<1x256x64xf32, #tpu.memory_space<vmem>>
    %dma_wait3A_98 = tpu.memref_squeeze %dma_wait3A_97 : memref<1x256x64xf32, #tpu.memory_space<vmem>> -> memref<256x64xf32, #tpu.memory_space<vmem>>
    %dma_wait3A_99 = arith.constant 128 : i32
    %dma_wait3A_100 = arith.constant 0 : i32
    %dma_wait3A_101 = tpu.memref_slice %dma_wait3A_98[%dma_wait3A_99, %dma_wait3A_100] : memref<256x64xf32, #tpu.memory_space<vmem>> -> memref<128x64xf32, #tpu.memory_space<vmem>>
    %dma_wait3A_102 = arith.constant 0 : i32
    %dma_wait3A_103 = arith.constant 0 : i32
    %dma_wait3A_104 = tpu.memref_slice %arg2[%dma_wait3A_102, %dma_wait3A_103] : memref<1000001x64xf32, #tpu.memory_space<hbm>> -> memref<128x64xf32, #tpu.memory_space<hbm>>
    tpu.wait_dma2 semaphore(%arg7 : memref<!tpu.dma_semaphore, #tpu.memory_space<semaphore_mem>>) src(%dma_wait3A_104 : memref<128x64xf32, #tpu.memory_space<hbm>>) dst(%dma_wait3A_101 : memref<128x64xf32, #tpu.memory_space<vmem>>)
    %add3A_105 = arith.constant 0 : i32
    %add3A_106 = arith.addi %mul3A_4, %add3A_105 : i32
    %dma_start3A_107 = arith.constant 0 : i32
    %dma_start3A_108 = arith.constant 0 : i32
    %dma_start3A_109 = arith.constant 0 : i32
    %dma_start3A_110 = tpu.memref_slice %arg6[%dma_start3A_107, %dma_start3A_108, %dma_start3A_109] : memref<4x256x64xf32, #tpu.memory_space<vmem>> -> memref<1x256x64xf32, #tpu.memory_space<vmem>>
    %dma_start3A_111 = tpu.memref_squeeze %dma_start3A_110 : memref<1x256x64xf32, #tpu.memory_space<vmem>> -> memref<256x64xf32, #tpu.memory_space<vmem>>
    %dma_start3A_112 = arith.constant 0 : i32
    %dma_start3A_113 = tpu.memref_slice %arg4[%add3A_106, %dma_start3A_112] : memref<819200x64xf32, #tpu.memory_space<hbm>> -> memref<256x64xf32, #tpu.memory_space<hbm>>
    %dma_start3A_114 = arith.constant 0 : i32
    %dma_start3A_115 = tpu.memref_slice %arg4[%add3A_106, %dma_start3A_114] : memref<819200x64xf32, #tpu.memory_space<hbm>> -> memref<256x64xf32, #tpu.memory_space<hbm>>
    %dma_start3A_116 = arith.constant 0 : i32
    %dma_start3A_117 = arith.constant 0 : i32
    %dma_start3A_118 = tpu.memref_slice %arg6[%dma_start3A_107, %dma_start3A_116, %dma_start3A_117] : memref<4x256x64xf32, #tpu.memory_space<vmem>> -> memref<1x256x64xf32, #tpu.memory_space<vmem>>
    %dma_start3A_119 = tpu.memref_squeeze %dma_start3A_118 : memref<1x256x64xf32, #tpu.memory_space<vmem>> -> memref<256x64xf32, #tpu.memory_space<vmem>>
    tpu.enqueue_dma source(%dma_start3A_119 : memref<256x64xf32, #tpu.memory_space<vmem>>) target(%dma_start3A_115 : memref<256x64xf32, #tpu.memory_space<hbm>>) target_semaphore(%arg11 : memref<!tpu.dma_semaphore, #tpu.memory_space<semaphore_mem>>)
    %dma_start3A_120 = arith.constant 4 : i32
    %dma_start3A_121 = arith.constant 2 : i32
    %dma_start3A_122 = arith.constant 0 : i32
    %dma_start3A_123 = arith.constant 0 : i32
    %dma_start3A_124 = tpu.memref_slice %arg6[%dma_start3A_121, %dma_start3A_122, %dma_start3A_123] : memref<4x256x64xf32, #tpu.memory_space<vmem>> -> memref<1x256x64xf32, #tpu.memory_space<vmem>>
    %dma_start3A_125 = tpu.memref_squeeze %dma_start3A_124 : memref<1x256x64xf32, #tpu.memory_space<vmem>> -> memref<256x64xf32, #tpu.memory_space<vmem>>
    %dma_start3A_126 = arith.constant 0 : i32
    %dma_start3A_127 = arith.constant 0 : i32
    %dma_start3A_128 = tpu.memref_slice %dma_start3A_125[%dma_start3A_126, %dma_start3A_127] : memref<256x64xf32, #tpu.memory_space<vmem>> -> memref<128x64xf32, #tpu.memory_space<vmem>>
    %dma_start3A_129 = arith.constant 0 : i32
    %dma_start3A_130 = tpu.memref_slice %arg5[%dma_start3A_120, %dma_start3A_129] : memref<200x128xi32, #tpu.memory_space<vmem>> -> memref<1x128xi32, #tpu.memory_space<vmem>>
    %dma_start3A_131 = tpu.memref_squeeze %dma_start3A_130 : memref<1x128xi32, #tpu.memory_space<vmem>> -> memref<128xi32, #tpu.memory_space<vmem>>
    %dma_start3A_132 = arith.constant 0 : i32
    %dma_start3A_133 = arith.constant 0 : i32
    %dma_start3A_134 = tpu.memref_slice %arg2[%dma_start3A_132, %dma_start3A_133] : memref<1000001x64xf32, #tpu.memory_space<hbm>> -> memref<1000001x64xf32, #tpu.memory_space<hbm>>
    tpu.enqueue_indirect_dma source(%dma_start3A_134 : memref<1000001x64xf32, #tpu.memory_space<hbm>>) target(%dma_start3A_128 : memref<128x64xf32, #tpu.memory_space<vmem>>) offsets(%dma_start3A_131 : memref<128xi32, #tpu.memory_space<vmem>>) semaphore(%arg9 : memref<!tpu.dma_semaphore, #tpu.memory_space<semaphore_mem>>)
    %dma_start3A_135 = arith.constant 5 : i32
    %dma_start3A_136 = arith.constant 2 : i32
    %dma_start3A_137 = arith.constant 0 : i32
    %dma_start3A_138 = arith.constant 0 : i32
    %dma_start3A_139 = tpu.memref_slice %arg6[%dma_start3A_136, %dma_start3A_137, %dma_start3A_138] : memref<4x256x64xf32, #tpu.memory_space<vmem>> -> memref<1x256x64xf32, #tpu.memory_space<vmem>>
    %dma_start3A_140 = tpu.memref_squeeze %dma_start3A_139 : memref<1x256x64xf32, #tpu.memory_space<vmem>> -> memref<256x64xf32, #tpu.memory_space<vmem>>
    %dma_start3A_141 = arith.constant 128 : i32
    %dma_start3A_142 = arith.constant 0 : i32
    %dma_start3A_143 = tpu.memref_slice %dma_start3A_140[%dma_start3A_141, %dma_start3A_142] : memref<256x64xf32, #tpu.memory_space<vmem>> -> memref<128x64xf32, #tpu.memory_space<vmem>>
    %dma_start3A_144 = arith.constant 0 : i32
    %dma_start3A_145 = tpu.memref_slice %arg5[%dma_start3A_135, %dma_start3A_144] : memref<200x128xi32, #tpu.memory_space<vmem>> -> memref<1x128xi32, #tpu.memory_space<vmem>>
    %dma_start3A_146 = tpu.memref_squeeze %dma_start3A_145 : memref<1x128xi32, #tpu.memory_space<vmem>> -> memref<128xi32, #tpu.memory_space<vmem>>
    %dma_start3A_147 = arith.constant 0 : i32
    %dma_start3A_148 = arith.constant 0 : i32
    %dma_start3A_149 = tpu.memref_slice %arg2[%dma_start3A_147, %dma_start3A_148] : memref<1000001x64xf32, #tpu.memory_space<hbm>> -> memref<1000001x64xf32, #tpu.memory_space<hbm>>
    tpu.enqueue_indirect_dma source(%dma_start3A_149 : memref<1000001x64xf32, #tpu.memory_space<hbm>>) target(%dma_start3A_143 : memref<128x64xf32, #tpu.memory_space<vmem>>) offsets(%dma_start3A_146 : memref<128xi32, #tpu.memory_space<vmem>>) semaphore(%arg9 : memref<!tpu.dma_semaphore, #tpu.memory_space<semaphore_mem>>)
    %dma_wait3A_150 = arith.constant 1 : i32
    %dma_wait3A_151 = arith.constant 0 : i32
    %dma_wait3A_152 = arith.constant 0 : i32
    %dma_wait3A_153 = tpu.memref_slice %arg6[%dma_wait3A_150, %dma_wait3A_151, %dma_wait3A_152] : memref<4x256x64xf32, #tpu.memory_space<vmem>> -> memref<1x256x64xf32, #tpu.memory_space<vmem>>
    %dma_wait3A_154 = tpu.memref_squeeze %dma_wait3A_153 : memref<1x256x64xf32, #tpu.memory_space<vmem>> -> memref<256x64xf32, #tpu.memory_space<vmem>>
    %dma_wait3A_155 = arith.constant 0 : i32
    %dma_wait3A_156 = arith.constant 0 : i32
    %dma_wait3A_157 = tpu.memref_slice %dma_wait3A_154[%dma_wait3A_155, %dma_wait3A_156] : memref<256x64xf32, #tpu.memory_space<vmem>> -> memref<128x64xf32, #tpu.memory_space<vmem>>
    %dma_wait3A_158 = arith.constant 0 : i32
    %dma_wait3A_159 = arith.constant 0 : i32
    %dma_wait3A_160 = tpu.memref_slice %arg2[%dma_wait3A_158, %dma_wait3A_159] : memref<1000001x64xf32, #tpu.memory_space<hbm>> -> memref<128x64xf32, #tpu.memory_space<hbm>>
    %dma_wait3A_161 = arith.constant 0 : i32
    %dma_wait3A_162 = arith.constant 0 : i32
    %dma_wait3A_163 = tpu.memref_slice %arg6[%dma_wait3A_150, %dma_wait3A_161, %dma_wait3A_162] : memref<4x256x64xf32, #tpu.memory_space<vmem>> -> memref<1x256x64xf32, #tpu.memory_space<vmem>>
    %dma_wait3A_164 = tpu.memref_squeeze %dma_wait3A_163 : memref<1x256x64xf32, #tpu.memory_space<vmem>> -> memref<256x64xf32, #tpu.memory_space<vmem>>
    %dma_wait3A_165 = arith.constant 0 : i32
    %dma_wait3A_166 = arith.constant 0 : i32
    %dma_wait3A_167 = tpu.memref_slice %dma_wait3A_164[%dma_wait3A_165, %dma_wait3A_166] : memref<256x64xf32, #tpu.memory_space<vmem>> -> memref<128x64xf32, #tpu.memory_space<vmem>>
    %dma_wait3A_168 = arith.constant 0 : i32
    %dma_wait3A_169 = arith.constant 0 : i32
    %dma_wait3A_170 = tpu.memref_slice %arg2[%dma_wait3A_168, %dma_wait3A_169] : memref<1000001x64xf32, #tpu.memory_space<hbm>> -> memref<128x64xf32, #tpu.memory_space<hbm>>
    tpu.wait_dma2 semaphore(%arg8 : memref<!tpu.dma_semaphore, #tpu.memory_space<semaphore_mem>>) src(%dma_wait3A_170 : memref<128x64xf32, #tpu.memory_space<hbm>>) dst(%dma_wait3A_167 : memref<128x64xf32, #tpu.memory_space<vmem>>)
    %dma_wait3A_171 = arith.constant 1 : i32
    %dma_wait3A_172 = arith.constant 0 : i32
    %dma_wait3A_173 = arith.constant 0 : i32
    %dma_wait3A_174 = tpu.memref_slice %arg6[%dma_wait3A_171, %dma_wait3A_172, %dma_wait3A_173] : memref<4x256x64xf32, #tpu.memory_space<vmem>> -> memref<1x256x64xf32, #tpu.memory_space<vmem>>
    %dma_wait3A_175 = tpu.memref_squeeze %dma_wait3A_174 : memref<1x256x64xf32, #tpu.memory_space<vmem>> -> memref<256x64xf32, #tpu.memory_space<vmem>>
    %dma_wait3A_176 = arith.constant 128 : i32
    %dma_wait3A_177 = arith.constant 0 : i32
    %dma_wait3A_178 = tpu.memref_slice %dma_wait3A_175[%dma_wait3A_176, %dma_wait3A_177] : memref<256x64xf32, #tpu.memory_space<vmem>> -> memref<128x64xf32, #tpu.memory_space<vmem>>
    %dma_wait3A_179 = arith.constant 0 : i32
    %dma_wait3A_180 = arith.constant 0 : i32
    %dma_wait3A_181 = tpu.memref_slice %arg2[%dma_wait3A_179, %dma_wait3A_180] : memref<1000001x64xf32, #tpu.memory_space<hbm>> -> memref<128x64xf32, #tpu.memory_space<hbm>>
    %dma_wait3A_182 = arith.constant 0 : i32
    %dma_wait3A_183 = arith.constant 0 : i32
    %dma_wait3A_184 = tpu.memref_slice %arg6[%dma_wait3A_171, %dma_wait3A_182, %dma_wait3A_183] : memref<4x256x64xf32, #tpu.memory_space<vmem>> -> memref<1x256x64xf32, #tpu.memory_space<vmem>>
    %dma_wait3A_185 = tpu.memref_squeeze %dma_wait3A_184 : memref<1x256x64xf32, #tpu.memory_space<vmem>> -> memref<256x64xf32, #tpu.memory_space<vmem>>
    %dma_wait3A_186 = arith.constant 128 : i32
    %dma_wait3A_187 = arith.constant 0 : i32
    %dma_wait3A_188 = tpu.memref_slice %dma_wait3A_185[%dma_wait3A_186, %dma_wait3A_187] : memref<256x64xf32, #tpu.memory_space<vmem>> -> memref<128x64xf32, #tpu.memory_space<vmem>>
    %dma_wait3A_189 = arith.constant 0 : i32
    %dma_wait3A_190 = arith.constant 0 : i32
    %dma_wait3A_191 = tpu.memref_slice %arg2[%dma_wait3A_189, %dma_wait3A_190] : memref<1000001x64xf32, #tpu.memory_space<hbm>> -> memref<128x64xf32, #tpu.memory_space<hbm>>
    tpu.wait_dma2 semaphore(%arg8 : memref<!tpu.dma_semaphore, #tpu.memory_space<semaphore_mem>>) src(%dma_wait3A_191 : memref<128x64xf32, #tpu.memory_space<hbm>>) dst(%dma_wait3A_188 : memref<128x64xf32, #tpu.memory_space<vmem>>)
    %add3A_192 = arith.constant 256 : i32
    %add3A_193 = arith.addi %mul3A_4, %add3A_192 : i32
    %dma_start3A_194 = arith.constant 1 : i32
    %dma_start3A_195 = arith.constant 0 : i32
    %dma_start3A_196 = arith.constant 0 : i32
    %dma_start3A_197 = tpu.memref_slice %arg6[%dma_start3A_194, %dma_start3A_195, %dma_start3A_196] : memref<4x256x64xf32, #tpu.memory_space<vmem>> -> memref<1x256x64xf32, #tpu.memory_space<vmem>>
    %dma_start3A_198 = tpu.memref_squeeze %dma_start3A_197 : memref<1x256x64xf32, #tpu.memory_space<vmem>> -> memref<256x64xf32, #tpu.memory_space<vmem>>
    %dma_start3A_199 = arith.constant 0 : i32
    %dma_start3A_200 = tpu.memref_slice %arg4[%add3A_193, %dma_start3A_199] : memref<819200x64xf32, #tpu.memory_space<hbm>> -> memref<256x64xf32, #tpu.memory_space<hbm>>
    %dma_start3A_201 = arith.constant 0 : i32
    %dma_start3A_202 = tpu.memref_slice %arg4[%add3A_193, %dma_start3A_201] : memref<819200x64xf32, #tpu.memory_space<hbm>> -> memref<256x64xf32, #tpu.memory_space<hbm>>
    %dma_start3A_203 = arith.constant 0 : i32
    %dma_start3A_204 = arith.constant 0 : i32
    %dma_start3A_205 = tpu.memref_slice %arg6[%dma_start3A_194, %dma_start3A_203, %dma_start3A_204] : memref<4x256x64xf32, #tpu.memory_space<vmem>> -> memref<1x256x64xf32, #tpu.memory_space<vmem>>
    %dma_start3A_206 = tpu.memref_squeeze %dma_start3A_205 : memref<1x256x64xf32, #tpu.memory_space<vmem>> -> memref<256x64xf32, #tpu.memory_space<vmem>>
    tpu.enqueue_dma source(%dma_start3A_206 : memref<256x64xf32, #tpu.memory_space<vmem>>) target(%dma_start3A_202 : memref<256x64xf32, #tpu.memory_space<hbm>>) target_semaphore(%arg12 : memref<!tpu.dma_semaphore, #tpu.memory_space<semaphore_mem>>)
    %dma_start3A_207 = arith.constant 6 : i32
    %dma_start3A_208 = arith.constant 3 : i32
    %dma_start3A_209 = arith.constant 0 : i32
    %dma_start3A_210 = arith.constant 0 : i32
    %dma_start3A_211 = tpu.memref_slice %arg6[%dma_start3A_208, %dma_start3A_209, %dma_start3A_210] : memref<4x256x64xf32, #tpu.memory_space<vmem>> -> memref<1x256x64xf32, #tpu.memory_space<vmem>>
    %dma_start3A_212 = tpu.memref_squeeze %dma_start3A_211 : memref<1x256x64xf32, #tpu.memory_space<vmem>> -> memref<256x64xf32, #tpu.memory_space<vmem>>
    %dma_start3A_213 = arith.constant 0 : i32
    %dma_start3A_214 = arith.constant 0 : i32
    %dma_start3A_215 = tpu.memref_slice %dma_start3A_212[%dma_start3A_213, %dma_start3A_214] : memref<256x64xf32, #tpu.memory_space<vmem>> -> memref<128x64xf32, #tpu.memory_space<vmem>>
    %dma_start3A_216 = arith.constant 0 : i32
    %dma_start3A_217 = tpu.memref_slice %arg5[%dma_start3A_207, %dma_start3A_216] : memref<200x128xi32, #tpu.memory_space<vmem>> -> memref<1x128xi32, #tpu.memory_space<vmem>>
    %dma_start3A_218 = tpu.memref_squeeze %dma_start3A_217 : memref<1x128xi32, #tpu.memory_space<vmem>> -> memref<128xi32, #tpu.memory_space<vmem>>
    %dma_start3A_219 = arith.constant 0 : i32
    %dma_start3A_220 = arith.constant 0 : i32
    %dma_start3A_221 = tpu.memref_slice %arg2[%dma_start3A_219, %dma_start3A_220] : memref<1000001x64xf32, #tpu.memory_space<hbm>> -> memref<1000001x64xf32, #tpu.memory_space<hbm>>
    tpu.enqueue_indirect_dma source(%dma_start3A_221 : memref<1000001x64xf32, #tpu.memory_space<hbm>>) target(%dma_start3A_215 : memref<128x64xf32, #tpu.memory_space<vmem>>) offsets(%dma_start3A_218 : memref<128xi32, #tpu.memory_space<vmem>>) semaphore(%arg10 : memref<!tpu.dma_semaphore, #tpu.memory_space<semaphore_mem>>)
    %dma_start3A_222 = arith.constant 7 : i32
    %dma_start3A_223 = arith.constant 3 : i32
    %dma_start3A_224 = arith.constant 0 : i32
    %dma_start3A_225 = arith.constant 0 : i32
    %dma_start3A_226 = tpu.memref_slice %arg6[%dma_start3A_223, %dma_start3A_224, %dma_start3A_225] : memref<4x256x64xf32, #tpu.memory_space<vmem>> -> memref<1x256x64xf32, #tpu.memory_space<vmem>>
    %dma_start3A_227 = tpu.memref_squeeze %dma_start3A_226 : memref<1x256x64xf32, #tpu.memory_space<vmem>> -> memref<256x64xf32, #tpu.memory_space<vmem>>
    %dma_start3A_228 = arith.constant 128 : i32
    %dma_start3A_229 = arith.constant 0 : i32
    %dma_start3A_230 = tpu.memref_slice %dma_start3A_227[%dma_start3A_228, %dma_start3A_229] : memref<256x64xf32, #tpu.memory_space<vmem>> -> memref<128x64xf32, #tpu.memory_space<vmem>>
    %dma_start3A_231 = arith.constant 0 : i32
    %dma_start3A_232 = tpu.memref_slice %arg5[%dma_start3A_222, %dma_start3A_231] : memref<200x128xi32, #tpu.memory_space<vmem>> -> memref<1x128xi32, #tpu.memory_space<vmem>>
    %dma_start3A_233 = tpu.memref_squeeze %dma_start3A_232 : memref<1x128xi32, #tpu.memory_space<vmem>> -> memref<128xi32, #tpu.memory_space<vmem>>
    %dma_start3A_234 = arith.constant 0 : i32
    %dma_start3A_235 = arith.constant 0 : i32
    %dma_start3A_236 = tpu.memref_slice %arg2[%dma_start3A_234, %dma_start3A_235] : memref<1000001x64xf32, #tpu.memory_space<hbm>> -> memref<1000001x64xf32, #tpu.memory_space<hbm>>
    tpu.enqueue_indirect_dma source(%dma_start3A_236 : memref<1000001x64xf32, #tpu.memory_space<hbm>>) target(%dma_start3A_230 : memref<128x64xf32, #tpu.memory_space<vmem>>) offsets(%dma_start3A_233 : memref<128xi32, #tpu.memory_space<vmem>>) semaphore(%arg10 : memref<!tpu.dma_semaphore, #tpu.memory_space<semaphore_mem>>)
    %dma_wait3A_237 = arith.constant 2 : i32
    %dma_wait3A_238 = arith.constant 0 : i32
    %dma_wait3A_239 = arith.constant 0 : i32
    %dma_wait3A_240 = tpu.memref_slice %arg6[%dma_wait3A_237, %dma_wait3A_238, %dma_wait3A_239] : memref<4x256x64xf32, #tpu.memory_space<vmem>> -> memref<1x256x64xf32, #tpu.memory_space<vmem>>
    %dma_wait3A_241 = tpu.memref_squeeze %dma_wait3A_240 : memref<1x256x64xf32, #tpu.memory_space<vmem>> -> memref<256x64xf32, #tpu.memory_space<vmem>>
    %dma_wait3A_242 = arith.constant 0 : i32
    %dma_wait3A_243 = arith.constant 0 : i32
    %dma_wait3A_244 = tpu.memref_slice %dma_wait3A_241[%dma_wait3A_242, %dma_wait3A_243] : memref<256x64xf32, #tpu.memory_space<vmem>> -> memref<128x64xf32, #tpu.memory_space<vmem>>
    %dma_wait3A_245 = arith.constant 0 : i32
    %dma_wait3A_246 = arith.constant 0 : i32
    %dma_wait3A_247 = tpu.memref_slice %arg2[%dma_wait3A_245, %dma_wait3A_246] : memref<1000001x64xf32, #tpu.memory_space<hbm>> -> memref<128x64xf32, #tpu.memory_space<hbm>>
    %dma_wait3A_248 = arith.constant 0 : i32
    %dma_wait3A_249 = arith.constant 0 : i32
    %dma_wait3A_250 = tpu.memref_slice %arg6[%dma_wait3A_237, %dma_wait3A_248, %dma_wait3A_249] : memref<4x256x64xf32, #tpu.memory_space<vmem>> -> memref<1x256x64xf32, #tpu.memory_space<vmem>>
    %dma_wait3A_251 = tpu.memref_squeeze %dma_wait3A_250 : memref<1x256x64xf32, #tpu.memory_space<vmem>> -> memref<256x64xf32, #tpu.memory_space<vmem>>
    %dma_wait3A_252 = arith.constant 0 : i32
    %dma_wait3A_253 = arith.constant 0 : i32
    %dma_wait3A_254 = tpu.memref_slice %dma_wait3A_251[%dma_wait3A_252, %dma_wait3A_253] : memref<256x64xf32, #tpu.memory_space<vmem>> -> memref<128x64xf32, #tpu.memory_space<vmem>>
    %dma_wait3A_255 = arith.constant 0 : i32
    %dma_wait3A_256 = arith.constant 0 : i32
    %dma_wait3A_257 = tpu.memref_slice %arg2[%dma_wait3A_255, %dma_wait3A_256] : memref<1000001x64xf32, #tpu.memory_space<hbm>> -> memref<128x64xf32, #tpu.memory_space<hbm>>
    tpu.wait_dma2 semaphore(%arg9 : memref<!tpu.dma_semaphore, #tpu.memory_space<semaphore_mem>>) src(%dma_wait3A_257 : memref<128x64xf32, #tpu.memory_space<hbm>>) dst(%dma_wait3A_254 : memref<128x64xf32, #tpu.memory_space<vmem>>)
    %dma_wait3A_258 = arith.constant 2 : i32
    %dma_wait3A_259 = arith.constant 0 : i32
    %dma_wait3A_260 = arith.constant 0 : i32
    %dma_wait3A_261 = tpu.memref_slice %arg6[%dma_wait3A_258, %dma_wait3A_259, %dma_wait3A_260] : memref<4x256x64xf32, #tpu.memory_space<vmem>> -> memref<1x256x64xf32, #tpu.memory_space<vmem>>
    %dma_wait3A_262 = tpu.memref_squeeze %dma_wait3A_261 : memref<1x256x64xf32, #tpu.memory_space<vmem>> -> memref<256x64xf32, #tpu.memory_space<vmem>>
    %dma_wait3A_263 = arith.constant 128 : i32
    %dma_wait3A_264 = arith.constant 0 : i32
    %dma_wait3A_265 = tpu.memref_slice %dma_wait3A_262[%dma_wait3A_263, %dma_wait3A_264] : memref<256x64xf32, #tpu.memory_space<vmem>> -> memref<128x64xf32, #tpu.memory_space<vmem>>
    %dma_wait3A_266 = arith.constant 0 : i32
    %dma_wait3A_267 = arith.constant 0 : i32
    %dma_wait3A_268 = tpu.memref_slice %arg2[%dma_wait3A_266, %dma_wait3A_267] : memref<1000001x64xf32, #tpu.memory_space<hbm>> -> memref<128x64xf32, #tpu.memory_space<hbm>>
    %dma_wait3A_269 = arith.constant 0 : i32
    %dma_wait3A_270 = arith.constant 0 : i32
    %dma_wait3A_271 = tpu.memref_slice %arg6[%dma_wait3A_258, %dma_wait3A_269, %dma_wait3A_270] : memref<4x256x64xf32, #tpu.memory_space<vmem>> -> memref<1x256x64xf32, #tpu.memory_space<vmem>>
    %dma_wait3A_272 = tpu.memref_squeeze %dma_wait3A_271 : memref<1x256x64xf32, #tpu.memory_space<vmem>> -> memref<256x64xf32, #tpu.memory_space<vmem>>
    %dma_wait3A_273 = arith.constant 128 : i32
    %dma_wait3A_274 = arith.constant 0 : i32
    %dma_wait3A_275 = tpu.memref_slice %dma_wait3A_272[%dma_wait3A_273, %dma_wait3A_274] : memref<256x64xf32, #tpu.memory_space<vmem>> -> memref<128x64xf32, #tpu.memory_space<vmem>>
    %dma_wait3A_276 = arith.constant 0 : i32
    %dma_wait3A_277 = arith.constant 0 : i32
    %dma_wait3A_278 = tpu.memref_slice %arg2[%dma_wait3A_276, %dma_wait3A_277] : memref<1000001x64xf32, #tpu.memory_space<hbm>> -> memref<128x64xf32, #tpu.memory_space<hbm>>
    tpu.wait_dma2 semaphore(%arg9 : memref<!tpu.dma_semaphore, #tpu.memory_space<semaphore_mem>>) src(%dma_wait3A_278 : memref<128x64xf32, #tpu.memory_space<hbm>>) dst(%dma_wait3A_275 : memref<128x64xf32, #tpu.memory_space<vmem>>)
    %add3A_279 = arith.constant 512 : i32
    %add3A_280 = arith.addi %mul3A_4, %add3A_279 : i32
    %dma_start3A_281 = arith.constant 2 : i32
    %dma_start3A_282 = arith.constant 0 : i32
    %dma_start3A_283 = arith.constant 0 : i32
    %dma_start3A_284 = tpu.memref_slice %arg6[%dma_start3A_281, %dma_start3A_282, %dma_start3A_283] : memref<4x256x64xf32, #tpu.memory_space<vmem>> -> memref<1x256x64xf32, #tpu.memory_space<vmem>>
    %dma_start3A_285 = tpu.memref_squeeze %dma_start3A_284 : memref<1x256x64xf32, #tpu.memory_space<vmem>> -> memref<256x64xf32, #tpu.memory_space<vmem>>
    %dma_start3A_286 = arith.constant 0 : i32
    %dma_start3A_287 = tpu.memref_slice %arg4[%add3A_280, %dma_start3A_286] : memref<819200x64xf32, #tpu.memory_space<hbm>> -> memref<256x64xf32, #tpu.memory_space<hbm>>
    %dma_start3A_288 = arith.constant 0 : i32
    %dma_start3A_289 = tpu.memref_slice %arg4[%add3A_280, %dma_start3A_288] : memref<819200x64xf32, #tpu.memory_space<hbm>> -> memref<256x64xf32, #tpu.memory_space<hbm>>
    %dma_start3A_290 = arith.constant 0 : i32
    %dma_start3A_291 = arith.constant 0 : i32
    %dma_start3A_292 = tpu.memref_slice %arg6[%dma_start3A_281, %dma_start3A_290, %dma_start3A_291] : memref<4x256x64xf32, #tpu.memory_space<vmem>> -> memref<1x256x64xf32, #tpu.memory_space<vmem>>
    %dma_start3A_293 = tpu.memref_squeeze %dma_start3A_292 : memref<1x256x64xf32, #tpu.memory_space<vmem>> -> memref<256x64xf32, #tpu.memory_space<vmem>>
    tpu.enqueue_dma source(%dma_start3A_293 : memref<256x64xf32, #tpu.memory_space<vmem>>) target(%dma_start3A_289 : memref<256x64xf32, #tpu.memory_space<hbm>>) target_semaphore(%arg13 : memref<!tpu.dma_semaphore, #tpu.memory_space<semaphore_mem>>)
    %dma_wait3A_294 = arith.constant 0 : i32
    %dma_wait3A_295 = arith.constant 0 : i32
    %dma_wait3A_296 = arith.constant 0 : i32
    %dma_wait3A_297 = tpu.memref_slice %arg6[%dma_wait3A_294, %dma_wait3A_295, %dma_wait3A_296] : memref<4x256x64xf32, #tpu.memory_space<vmem>> -> memref<1x256x64xf32, #tpu.memory_space<vmem>>
    %dma_wait3A_298 = tpu.memref_squeeze %dma_wait3A_297 : memref<1x256x64xf32, #tpu.memory_space<vmem>> -> memref<256x64xf32, #tpu.memory_space<vmem>>
    %dma_wait3A_299 = arith.constant 0 : i32
    %dma_wait3A_300 = tpu.memref_slice %arg4[%mul3A_4, %dma_wait3A_299] : memref<819200x64xf32, #tpu.memory_space<hbm>> -> memref<256x64xf32, #tpu.memory_space<hbm>>
    %dma_wait3A_301 = arith.constant 0 : i32
    %dma_wait3A_302 = tpu.memref_slice %arg4[%mul3A_4, %dma_wait3A_301] : memref<819200x64xf32, #tpu.memory_space<hbm>> -> memref<256x64xf32, #tpu.memory_space<hbm>>
    %dma_wait3A_303 = arith.constant 0 : i32
    %dma_wait3A_304 = arith.constant 0 : i32
    %dma_wait3A_305 = tpu.memref_slice %arg6[%dma_wait3A_294, %dma_wait3A_303, %dma_wait3A_304] : memref<4x256x64xf32, #tpu.memory_space<vmem>> -> memref<1x256x64xf32, #tpu.memory_space<vmem>>
    %dma_wait3A_306 = tpu.memref_squeeze %dma_wait3A_305 : memref<1x256x64xf32, #tpu.memory_space<vmem>> -> memref<256x64xf32, #tpu.memory_space<vmem>>
    tpu.wait_dma2 semaphore(%arg11 : memref<!tpu.dma_semaphore, #tpu.memory_space<semaphore_mem>>) src(%dma_wait3A_306 : memref<256x64xf32, #tpu.memory_space<vmem>>) dst(%dma_wait3A_302 : memref<256x64xf32, #tpu.memory_space<hbm>>)
    %dma_start3A_307 = arith.constant 8 : i32
    %dma_start3A_308 = arith.constant 0 : i32
    %dma_start3A_309 = arith.constant 0 : i32
    %dma_start3A_310 = arith.constant 0 : i32
    %dma_start3A_311 = tpu.memref_slice %arg6[%dma_start3A_308, %dma_start3A_309, %dma_start3A_310] : memref<4x256x64xf32, #tpu.memory_space<vmem>> -> memref<1x256x64xf32, #tpu.memory_space<vmem>>
    %dma_start3A_312 = tpu.memref_squeeze %dma_start3A_311 : memref<1x256x64xf32, #tpu.memory_space<vmem>> -> memref<256x64xf32, #tpu.memory_space<vmem>>
    %dma_start3A_313 = arith.constant 0 : i32
    %dma_start3A_314 = arith.constant 0 : i32
    %dma_start3A_315 = tpu.memref_slice %dma_start3A_312[%dma_start3A_313, %dma_start3A_314] : memref<256x64xf32, #tpu.memory_space<vmem>> -> memref<128x64xf32, #tpu.memory_space<vmem>>
    %dma_start3A_316 = arith.constant 0 : i32
    %dma_start3A_317 = tpu.memref_slice %arg5[%dma_start3A_307, %dma_start3A_316] : memref<200x128xi32, #tpu.memory_space<vmem>> -> memref<1x128xi32, #tpu.memory_space<vmem>>
    %dma_start3A_318 = tpu.memref_squeeze %dma_start3A_317 : memref<1x128xi32, #tpu.memory_space<vmem>> -> memref<128xi32, #tpu.memory_space<vmem>>
    %dma_start3A_319 = arith.constant 0 : i32
    %dma_start3A_320 = arith.constant 0 : i32
    %dma_start3A_321 = tpu.memref_slice %arg2[%dma_start3A_319, %dma_start3A_320] : memref<1000001x64xf32, #tpu.memory_space<hbm>> -> memref<1000001x64xf32, #tpu.memory_space<hbm>>
    tpu.enqueue_indirect_dma source(%dma_start3A_321 : memref<1000001x64xf32, #tpu.memory_space<hbm>>) target(%dma_start3A_315 : memref<128x64xf32, #tpu.memory_space<vmem>>) offsets(%dma_start3A_318 : memref<128xi32, #tpu.memory_space<vmem>>) semaphore(%arg7 : memref<!tpu.dma_semaphore, #tpu.memory_space<semaphore_mem>>)
    %dma_start3A_322 = arith.constant 9 : i32
    %dma_start3A_323 = arith.constant 0 : i32
    %dma_start3A_324 = arith.constant 0 : i32
    %dma_start3A_325 = arith.constant 0 : i32
    %dma_start3A_326 = tpu.memref_slice %arg6[%dma_start3A_323, %dma_start3A_324, %dma_start3A_325] : memref<4x256x64xf32, #tpu.memory_space<vmem>> -> memref<1x256x64xf32, #tpu.memory_space<vmem>>
    %dma_start3A_327 = tpu.memref_squeeze %dma_start3A_326 : memref<1x256x64xf32, #tpu.memory_space<vmem>> -> memref<256x64xf32, #tpu.memory_space<vmem>>
    %dma_start3A_328 = arith.constant 128 : i32
    %dma_start3A_329 = arith.constant 0 : i32
    %dma_start3A_330 = tpu.memref_slice %dma_start3A_327[%dma_start3A_328, %dma_start3A_329] : memref<256x64xf32, #tpu.memory_space<vmem>> -> memref<128x64xf32, #tpu.memory_space<vmem>>
    %dma_start3A_331 = arith.constant 0 : i32
    %dma_start3A_332 = tpu.memref_slice %arg5[%dma_start3A_322, %dma_start3A_331] : memref<200x128xi32, #tpu.memory_space<vmem>> -> memref<1x128xi32, #tpu.memory_space<vmem>>
    %dma_start3A_333 = tpu.memref_squeeze %dma_start3A_332 : memref<1x128xi32, #tpu.memory_space<vmem>> -> memref<128xi32, #tpu.memory_space<vmem>>
    %dma_start3A_334 = arith.constant 0 : i32
    %dma_start3A_335 = arith.constant 0 : i32
    %dma_start3A_336 = tpu.memref_slice %arg2[%dma_start3A_334, %dma_start3A_335] : memref<1000001x64xf32, #tpu.memory_space<hbm>> -> memref<1000001x64xf32, #tpu.memory_space<hbm>>
    tpu.enqueue_indirect_dma source(%dma_start3A_336 : memref<1000001x64xf32, #tpu.memory_space<hbm>>) target(%dma_start3A_330 : memref<128x64xf32, #tpu.memory_space<vmem>>) offsets(%dma_start3A_333 : memref<128xi32, #tpu.memory_space<vmem>>) semaphore(%arg7 : memref<!tpu.dma_semaphore, #tpu.memory_space<semaphore_mem>>)
    %dma_wait3A_337 = arith.constant 3 : i32
    %dma_wait3A_338 = arith.constant 0 : i32
    %dma_wait3A_339 = arith.constant 0 : i32
    %dma_wait3A_340 = tpu.memref_slice %arg6[%dma_wait3A_337, %dma_wait3A_338, %dma_wait3A_339] : memref<4x256x64xf32, #tpu.memory_space<vmem>> -> memref<1x256x64xf32, #tpu.memory_space<vmem>>
    %dma_wait3A_341 = tpu.memref_squeeze %dma_wait3A_340 : memref<1x256x64xf32, #tpu.memory_space<vmem>> -> memref<256x64xf32, #tpu.memory_space<vmem>>
    %dma_wait3A_342 = arith.constant 0 : i32
    %dma_wait3A_343 = arith.constant 0 : i32
    %dma_wait3A_344 = tpu.memref_slice %dma_wait3A_341[%dma_wait3A_342, %dma_wait3A_343] : memref<256x64xf32, #tpu.memory_space<vmem>> -> memref<128x64xf32, #tpu.memory_space<vmem>>
    %dma_wait3A_345 = arith.constant 0 : i32
    %dma_wait3A_346 = arith.constant 0 : i32
    %dma_wait3A_347 = tpu.memref_slice %arg2[%dma_wait3A_345, %dma_wait3A_346] : memref<1000001x64xf32, #tpu.memory_space<hbm>> -> memref<128x64xf32, #tpu.memory_space<hbm>>
    %dma_wait3A_348 = arith.constant 0 : i32
    %dma_wait3A_349 = arith.constant 0 : i32
    %dma_wait3A_350 = tpu.memref_slice %arg6[%dma_wait3A_337, %dma_wait3A_348, %dma_wait3A_349] : memref<4x256x64xf32, #tpu.memory_space<vmem>> -> memref<1x256x64xf32, #tpu.memory_space<vmem>>
    %dma_wait3A_351 = tpu.memref_squeeze %dma_wait3A_350 : memref<1x256x64xf32, #tpu.memory_space<vmem>> -> memref<256x64xf32, #tpu.memory_space<vmem>>
    %dma_wait3A_352 = arith.constant 0 : i32
    %dma_wait3A_353 = arith.constant 0 : i32
    %dma_wait3A_354 = tpu.memref_slice %dma_wait3A_351[%dma_wait3A_352, %dma_wait3A_353] : memref<256x64xf32, #tpu.memory_space<vmem>> -> memref<128x64xf32, #tpu.memory_space<vmem>>
    %dma_wait3A_355 = arith.constant 0 : i32
    %dma_wait3A_356 = arith.constant 0 : i32
    %dma_wait3A_357 = tpu.memref_slice %arg2[%dma_wait3A_355, %dma_wait3A_356] : memref<1000001x64xf32, #tpu.memory_space<hbm>> -> memref<128x64xf32, #tpu.memory_space<hbm>>
    tpu.wait_dma2 semaphore(%arg10 : memref<!tpu.dma_semaphore, #tpu.memory_space<semaphore_mem>>) src(%dma_wait3A_357 : memref<128x64xf32, #tpu.memory_space<hbm>>) dst(%dma_wait3A_354 : memref<128x64xf32, #tpu.memory_space<vmem>>)
    %dma_wait3A_358 = arith.constant 3 : i32
    %dma_wait3A_359 = arith.constant 0 : i32
    %dma_wait3A_360 = arith.constant 0 : i32
    %dma_wait3A_361 = tpu.memref_slice %arg6[%dma_wait3A_358, %dma_wait3A_359, %dma_wait3A_360] : memref<4x256x64xf32, #tpu.memory_space<vmem>> -> memref<1x256x64xf32, #tpu.memory_space<vmem>>
    %dma_wait3A_362 = tpu.memref_squeeze %dma_wait3A_361 : memref<1x256x64xf32, #tpu.memory_space<vmem>> -> memref<256x64xf32, #tpu.memory_space<vmem>>
    %dma_wait3A_363 = arith.constant 128 : i32
    %dma_wait3A_364 = arith.constant 0 : i32
    %dma_wait3A_365 = tpu.memref_slice %dma_wait3A_362[%dma_wait3A_363, %dma_wait3A_364] : memref<256x64xf32, #tpu.memory_space<vmem>> -> memref<128x64xf32, #tpu.memory_space<vmem>>
    %dma_wait3A_366 = arith.constant 0 : i32
    %dma_wait3A_367 = arith.constant 0 : i32
    %dma_wait3A_368 = tpu.memref_slice %arg2[%dma_wait3A_366, %dma_wait3A_367] : memref<1000001x64xf32, #tpu.memory_space<hbm>> -> memref<128x64xf32, #tpu.memory_space<hbm>>
    %dma_wait3A_369 = arith.constant 0 : i32
    %dma_wait3A_370 = arith.constant 0 : i32
    %dma_wait3A_371 = tpu.memref_slice %arg6[%dma_wait3A_358, %dma_wait3A_369, %dma_wait3A_370] : memref<4x256x64xf32, #tpu.memory_space<vmem>> -> memref<1x256x64xf32, #tpu.memory_space<vmem>>
    %dma_wait3A_372 = tpu.memref_squeeze %dma_wait3A_371 : memref<1x256x64xf32, #tpu.memory_space<vmem>> -> memref<256x64xf32, #tpu.memory_space<vmem>>
    %dma_wait3A_373 = arith.constant 128 : i32
    %dma_wait3A_374 = arith.constant 0 : i32
    %dma_wait3A_375 = tpu.memref_slice %dma_wait3A_372[%dma_wait3A_373, %dma_wait3A_374] : memref<256x64xf32, #tpu.memory_space<vmem>> -> memref<128x64xf32, #tpu.memory_space<vmem>>
    %dma_wait3A_376 = arith.constant 0 : i32
    %dma_wait3A_377 = arith.constant 0 : i32
    %dma_wait3A_378 = tpu.memref_slice %arg2[%dma_wait3A_376, %dma_wait3A_377] : memref<1000001x64xf32, #tpu.memory_space<hbm>> -> memref<128x64xf32, #tpu.memory_space<hbm>>
    tpu.wait_dma2 semaphore(%arg10 : memref<!tpu.dma_semaphore, #tpu.memory_space<semaphore_mem>>) src(%dma_wait3A_378 : memref<128x64xf32, #tpu.memory_space<hbm>>) dst(%dma_wait3A_375 : memref<128x64xf32, #tpu.memory_space<vmem>>)
    %add3A_379 = arith.constant 768 : i32
    %add3A_380 = arith.addi %mul3A_4, %add3A_379 : i32
    %dma_start3A_381 = arith.constant 3 : i32
    %dma_start3A_382 = arith.constant 0 : i32
    %dma_start3A_383 = arith.constant 0 : i32
    %dma_start3A_384 = tpu.memref_slice %arg6[%dma_start3A_381, %dma_start3A_382, %dma_start3A_383] : memref<4x256x64xf32, #tpu.memory_space<vmem>> -> memref<1x256x64xf32, #tpu.memory_space<vmem>>
    %dma_start3A_385 = tpu.memref_squeeze %dma_start3A_384 : memref<1x256x64xf32, #tpu.memory_space<vmem>> -> memref<256x64xf32, #tpu.memory_space<vmem>>
    %dma_start3A_386 = arith.constant 0 : i32
    %dma_start3A_387 = tpu.memref_slice %arg4[%add3A_380, %dma_start3A_386] : memref<819200x64xf32, #tpu.memory_space<hbm>> -> memref<256x64xf32, #tpu.memory_space<hbm>>
    %dma_start3A_388 = arith.constant 0 : i32
    %dma_start3A_389 = tpu.memref_slice %arg4[%add3A_380, %dma_start3A_388] : memref<819200x64xf32, #tpu.memory_space<hbm>> -> memref<256x64xf32, #tpu.memory_space<hbm>>
    %dma_start3A_390 = arith.constant 0 : i32
    %dma_start3A_391 = arith.constant 0 : i32
    %dma_start3A_392 = tpu.memref_slice %arg6[%dma_start3A_381, %dma_start3A_390, %dma_start3A_391] : memref<4x256x64xf32, #tpu.memory_space<vmem>> -> memref<1x256x64xf32, #tpu.memory_space<vmem>>
    %dma_start3A_393 = tpu.memref_squeeze %dma_start3A_392 : memref<1x256x64xf32, #tpu.memory_space<vmem>> -> memref<256x64xf32, #tpu.memory_space<vmem>>
    tpu.enqueue_dma source(%dma_start3A_393 : memref<256x64xf32, #tpu.memory_space<vmem>>) target(%dma_start3A_389 : memref<256x64xf32, #tpu.memory_space<hbm>>) target_semaphore(%arg14 : memref<!tpu.dma_semaphore, #tpu.memory_space<semaphore_mem>>)
    %scan3A = arith.constant 0 : i32
    %scan3A_394 = arith.constant 1 : i32
    %scan3A_395 = arith.constant 23 : i32
    %scan3A_396 = arith.addi %scan3A_394, %scan3A_395 : i32
    %scan3A_397 = arith.constant 1 : i32
    scf.for %scan3A_808 = %scan3A_394 to %scan3A_396 step %scan3A_397  : i32 {
      %mul3A_809 = arith.constant 4 : i32
      %mul3A_810 = arith.muli %scan3A_808, %mul3A_809 : i32
      %add3A_811 = arith.constant 0 : i32
      %add3A_812 = arith.addi %mul3A_810, %add3A_811 : i32
      %dma_wait3A_813 = arith.constant 1 : i32
      %dma_wait3A_814 = arith.constant 0 : i32
      %dma_wait3A_815 = arith.constant 0 : i32
      %dma_wait3A_816 = tpu.memref_slice %arg6[%dma_wait3A_813, %dma_wait3A_814, %dma_wait3A_815] : memref<4x256x64xf32, #tpu.memory_space<vmem>> -> memref<1x256x64xf32, #tpu.memory_space<vmem>>
      %dma_wait3A_817 = tpu.memref_squeeze %dma_wait3A_816 : memref<1x256x64xf32, #tpu.memory_space<vmem>> -> memref<256x64xf32, #tpu.memory_space<vmem>>
      %dma_wait3A_818 = arith.constant 0 : i32
      %dma_wait3A_819 = tpu.memref_slice %arg4[%mul3A_4, %dma_wait3A_818] : memref<819200x64xf32, #tpu.memory_space<hbm>> -> memref<256x64xf32, #tpu.memory_space<hbm>>
      %dma_wait3A_820 = arith.constant 0 : i32
      %dma_wait3A_821 = tpu.memref_slice %arg4[%mul3A_4, %dma_wait3A_820] : memref<819200x64xf32, #tpu.memory_space<hbm>> -> memref<256x64xf32, #tpu.memory_space<hbm>>
      %dma_wait3A_822 = arith.constant 0 : i32
      %dma_wait3A_823 = arith.constant 0 : i32
      %dma_wait3A_824 = tpu.memref_slice %arg6[%dma_wait3A_813, %dma_wait3A_822, %dma_wait3A_823] : memref<4x256x64xf32, #tpu.memory_space<vmem>> -> memref<1x256x64xf32, #tpu.memory_space<vmem>>
      %dma_wait3A_825 = tpu.memref_squeeze %dma_wait3A_824 : memref<1x256x64xf32, #tpu.memory_space<vmem>> -> memref<256x64xf32, #tpu.memory_space<vmem>>
      tpu.wait_dma2 semaphore(%arg12 : memref<!tpu.dma_semaphore, #tpu.memory_space<semaphore_mem>>) src(%dma_wait3A_825 : memref<256x64xf32, #tpu.memory_space<vmem>>) dst(%dma_wait3A_821 : memref<256x64xf32, #tpu.memory_space<hbm>>)
      %add3A_826 = arith.constant 1 : i32
      %add3A_827 = arith.addi %add3A_812, %add3A_826 : i32
      %mul3A_828 = arith.constant 2 : i32
      %mul3A_829 = arith.muli %add3A_827, %mul3A_828 : i32
      %add3A_830 = arith.constant 0 : i32
      %add3A_831 = arith.addi %mul3A_829, %add3A_830 : i32
      %dma_start3A_832 = arith.constant 1 : i32
      %dma_start3A_833 = arith.constant 0 : i32
      %dma_start3A_834 = arith.constant 0 : i32
      %dma_start3A_835 = tpu.memref_slice %arg6[%dma_start3A_832, %dma_start3A_833, %dma_start3A_834] : memref<4x256x64xf32, #tpu.memory_space<vmem>> -> memref<1x256x64xf32, #tpu.memory_space<vmem>>
      %dma_start3A_836 = tpu.memref_squeeze %dma_start3A_835 : memref<1x256x64xf32, #tpu.memory_space<vmem>> -> memref<256x64xf32, #tpu.memory_space<vmem>>
      %dma_start3A_837 = arith.constant 0 : i32
      %dma_start3A_838 = arith.constant 0 : i32
      %dma_start3A_839 = tpu.memref_slice %dma_start3A_836[%dma_start3A_837, %dma_start3A_838] : memref<256x64xf32, #tpu.memory_space<vmem>> -> memref<128x64xf32, #tpu.memory_space<vmem>>
      %dma_start3A_840 = arith.constant 0 : i32
      %dma_start3A_841 = tpu.memref_slice %arg5[%add3A_831, %dma_start3A_840] : memref<200x128xi32, #tpu.memory_space<vmem>> -> memref<1x128xi32, #tpu.memory_space<vmem>>
      %dma_start3A_842 = tpu.memref_squeeze %dma_start3A_841 : memref<1x128xi32, #tpu.memory_space<vmem>> -> memref<128xi32, #tpu.memory_space<vmem>>
      %dma_start3A_843 = arith.constant 0 : i32
      %dma_start3A_844 = arith.constant 0 : i32
      %dma_start3A_845 = tpu.memref_slice %arg2[%dma_start3A_843, %dma_start3A_844] : memref<1000001x64xf32, #tpu.memory_space<hbm>> -> memref<1000001x64xf32, #tpu.memory_space<hbm>>
      tpu.enqueue_indirect_dma source(%dma_start3A_845 : memref<1000001x64xf32, #tpu.memory_space<hbm>>) target(%dma_start3A_839 : memref<128x64xf32, #tpu.memory_space<vmem>>) offsets(%dma_start3A_842 : memref<128xi32, #tpu.memory_space<vmem>>) semaphore(%arg8 : memref<!tpu.dma_semaphore, #tpu.memory_space<semaphore_mem>>)
      %mul3A_846 = arith.constant 2 : i32
      %mul3A_847 = arith.muli %add3A_827, %mul3A_846 : i32
      %add3A_848 = arith.constant 1 : i32
      %add3A_849 = arith.addi %mul3A_847, %add3A_848 : i32
      %dma_start3A_850 = arith.constant 1 : i32
      %dma_start3A_851 = arith.constant 0 : i32
      %dma_start3A_852 = arith.constant 0 : i32
      %dma_start3A_853 = tpu.memref_slice %arg6[%dma_start3A_850, %dma_start3A_851, %dma_start3A_852] : memref<4x256x64xf32, #tpu.memory_space<vmem>> -> memref<1x256x64xf32, #tpu.memory_space<vmem>>
      %dma_start3A_854 = tpu.memref_squeeze %dma_start3A_853 : memref<1x256x64xf32, #tpu.memory_space<vmem>> -> memref<256x64xf32, #tpu.memory_space<vmem>>
      %dma_start3A_855 = arith.constant 128 : i32
      %dma_start3A_856 = arith.constant 0 : i32
      %dma_start3A_857 = tpu.memref_slice %dma_start3A_854[%dma_start3A_855, %dma_start3A_856] : memref<256x64xf32, #tpu.memory_space<vmem>> -> memref<128x64xf32, #tpu.memory_space<vmem>>
      %dma_start3A_858 = arith.constant 0 : i32
      %dma_start3A_859 = tpu.memref_slice %arg5[%add3A_849, %dma_start3A_858] : memref<200x128xi32, #tpu.memory_space<vmem>> -> memref<1x128xi32, #tpu.memory_space<vmem>>
      %dma_start3A_860 = tpu.memref_squeeze %dma_start3A_859 : memref<1x128xi32, #tpu.memory_space<vmem>> -> memref<128xi32, #tpu.memory_space<vmem>>
      %dma_start3A_861 = arith.constant 0 : i32
      %dma_start3A_862 = arith.constant 0 : i32
      %dma_start3A_863 = tpu.memref_slice %arg2[%dma_start3A_861, %dma_start3A_862] : memref<1000001x64xf32, #tpu.memory_space<hbm>> -> memref<1000001x64xf32, #tpu.memory_space<hbm>>
      tpu.enqueue_indirect_dma source(%dma_start3A_863 : memref<1000001x64xf32, #tpu.memory_space<hbm>>) target(%dma_start3A_857 : memref<128x64xf32, #tpu.memory_space<vmem>>) offsets(%dma_start3A_860 : memref<128xi32, #tpu.memory_space<vmem>>) semaphore(%arg8 : memref<!tpu.dma_semaphore, #tpu.memory_space<semaphore_mem>>)
      %dma_wait3A_864 = arith.constant 0 : i32
      %dma_wait3A_865 = arith.constant 0 : i32
      %dma_wait3A_866 = arith.constant 0 : i32
      %dma_wait3A_867 = tpu.memref_slice %arg6[%dma_wait3A_864, %dma_wait3A_865, %dma_wait3A_866] : memref<4x256x64xf32, #tpu.memory_space<vmem>> -> memref<1x256x64xf32, #tpu.memory_space<vmem>>
      %dma_wait3A_868 = tpu.memref_squeeze %dma_wait3A_867 : memref<1x256x64xf32, #tpu.memory_space<vmem>> -> memref<256x64xf32, #tpu.memory_space<vmem>>
      %dma_wait3A_869 = arith.constant 0 : i32
      %dma_wait3A_870 = arith.constant 0 : i32
      %dma_wait3A_871 = tpu.memref_slice %dma_wait3A_868[%dma_wait3A_869, %dma_wait3A_870] : memref<256x64xf32, #tpu.memory_space<vmem>> -> memref<128x64xf32, #tpu.memory_space<vmem>>
      %dma_wait3A_872 = arith.constant 0 : i32
      %dma_wait3A_873 = arith.constant 0 : i32
      %dma_wait3A_874 = tpu.memref_slice %arg2[%dma_wait3A_872, %dma_wait3A_873] : memref<1000001x64xf32, #tpu.memory_space<hbm>> -> memref<128x64xf32, #tpu.memory_space<hbm>>
      %dma_wait3A_875 = arith.constant 0 : i32
      %dma_wait3A_876 = arith.constant 0 : i32
      %dma_wait3A_877 = tpu.memref_slice %arg6[%dma_wait3A_864, %dma_wait3A_875, %dma_wait3A_876] : memref<4x256x64xf32, #tpu.memory_space<vmem>> -> memref<1x256x64xf32, #tpu.memory_space<vmem>>
      %dma_wait3A_878 = tpu.memref_squeeze %dma_wait3A_877 : memref<1x256x64xf32, #tpu.memory_space<vmem>> -> memref<256x64xf32, #tpu.memory_space<vmem>>
      %dma_wait3A_879 = arith.constant 0 : i32
      %dma_wait3A_880 = arith.constant 0 : i32
      %dma_wait3A_881 = tpu.memref_slice %dma_wait3A_878[%dma_wait3A_879, %dma_wait3A_880] : memref<256x64xf32, #tpu.memory_space<vmem>> -> memref<128x64xf32, #tpu.memory_space<vmem>>
      %dma_wait3A_882 = arith.constant 0 : i32
      %dma_wait3A_883 = arith.constant 0 : i32
      %dma_wait3A_884 = tpu.memref_slice %arg2[%dma_wait3A_882, %dma_wait3A_883] : memref<1000001x64xf32, #tpu.memory_space<hbm>> -> memref<128x64xf32, #tpu.memory_space<hbm>>
      tpu.wait_dma2 semaphore(%arg7 : memref<!tpu.dma_semaphore, #tpu.memory_space<semaphore_mem>>) src(%dma_wait3A_884 : memref<128x64xf32, #tpu.memory_space<hbm>>) dst(%dma_wait3A_881 : memref<128x64xf32, #tpu.memory_space<vmem>>)
      %dma_wait3A_885 = arith.constant 0 : i32
      %dma_wait3A_886 = arith.constant 0 : i32
      %dma_wait3A_887 = arith.constant 0 : i32
      %dma_wait3A_888 = tpu.memref_slice %arg6[%dma_wait3A_885, %dma_wait3A_886, %dma_wait3A_887] : memref<4x256x64xf32, #tpu.memory_space<vmem>> -> memref<1x256x64xf32, #tpu.memory_space<vmem>>
      %dma_wait3A_889 = tpu.memref_squeeze %dma_wait3A_888 : memref<1x256x64xf32, #tpu.memory_space<vmem>> -> memref<256x64xf32, #tpu.memory_space<vmem>>
      %dma_wait3A_890 = arith.constant 128 : i32
      %dma_wait3A_891 = arith.constant 0 : i32
      %dma_wait3A_892 = tpu.memref_slice %dma_wait3A_889[%dma_wait3A_890, %dma_wait3A_891] : memref<256x64xf32, #tpu.memory_space<vmem>> -> memref<128x64xf32, #tpu.memory_space<vmem>>
      %dma_wait3A_893 = arith.constant 0 : i32
      %dma_wait3A_894 = arith.constant 0 : i32
      %dma_wait3A_895 = tpu.memref_slice %arg2[%dma_wait3A_893, %dma_wait3A_894] : memref<1000001x64xf32, #tpu.memory_space<hbm>> -> memref<128x64xf32, #tpu.memory_space<hbm>>
      %dma_wait3A_896 = arith.constant 0 : i32
      %dma_wait3A_897 = arith.constant 0 : i32
      %dma_wait3A_898 = tpu.memref_slice %arg6[%dma_wait3A_885, %dma_wait3A_896, %dma_wait3A_897] : memref<4x256x64xf32, #tpu.memory_space<vmem>> -> memref<1x256x64xf32, #tpu.memory_space<vmem>>
      %dma_wait3A_899 = tpu.memref_squeeze %dma_wait3A_898 : memref<1x256x64xf32, #tpu.memory_space<vmem>> -> memref<256x64xf32, #tpu.memory_space<vmem>>
      %dma_wait3A_900 = arith.constant 128 : i32
      %dma_wait3A_901 = arith.constant 0 : i32
      %dma_wait3A_902 = tpu.memref_slice %dma_wait3A_899[%dma_wait3A_900, %dma_wait3A_901] : memref<256x64xf32, #tpu.memory_space<vmem>> -> memref<128x64xf32, #tpu.memory_space<vmem>>
      %dma_wait3A_903 = arith.constant 0 : i32
      %dma_wait3A_904 = arith.constant 0 : i32
      %dma_wait3A_905 = tpu.memref_slice %arg2[%dma_wait3A_903, %dma_wait3A_904] : memref<1000001x64xf32, #tpu.memory_space<hbm>> -> memref<128x64xf32, #tpu.memory_space<hbm>>
      tpu.wait_dma2 semaphore(%arg7 : memref<!tpu.dma_semaphore, #tpu.memory_space<semaphore_mem>>) src(%dma_wait3A_905 : memref<128x64xf32, #tpu.memory_space<hbm>>) dst(%dma_wait3A_902 : memref<128x64xf32, #tpu.memory_space<vmem>>)
      %mul3A_906 = arith.constant 256 : i32
      %mul3A_907 = arith.muli %add3A_812, %mul3A_906 : i32
      %add3A_908 = arith.addi %mul3A_4, %mul3A_907 : i32
      %dma_start3A_909 = arith.constant 0 : i32
      %dma_start3A_910 = arith.constant 0 : i32
      %dma_start3A_911 = arith.constant 0 : i32
      %dma_start3A_912 = tpu.memref_slice %arg6[%dma_start3A_909, %dma_start3A_910, %dma_start3A_911] : memref<4x256x64xf32, #tpu.memory_space<vmem>> -> memref<1x256x64xf32, #tpu.memory_space<vmem>>
      %dma_start3A_913 = tpu.memref_squeeze %dma_start3A_912 : memref<1x256x64xf32, #tpu.memory_space<vmem>> -> memref<256x64xf32, #tpu.memory_space<vmem>>
      %dma_start3A_914 = arith.constant 0 : i32
      %dma_start3A_915 = tpu.memref_slice %arg4[%add3A_908, %dma_start3A_914] : memref<819200x64xf32, #tpu.memory_space<hbm>> -> memref<256x64xf32, #tpu.memory_space<hbm>>
      %dma_start3A_916 = arith.constant 0 : i32
      %dma_start3A_917 = tpu.memref_slice %arg4[%add3A_908, %dma_start3A_916] : memref<819200x64xf32, #tpu.memory_space<hbm>> -> memref<256x64xf32, #tpu.memory_space<hbm>>
      %dma_start3A_918 = arith.constant 0 : i32
      %dma_start3A_919 = arith.constant 0 : i32
      %dma_start3A_920 = tpu.memref_slice %arg6[%dma_start3A_909, %dma_start3A_918, %dma_start3A_919] : memref<4x256x64xf32, #tpu.memory_space<vmem>> -> memref<1x256x64xf32, #tpu.memory_space<vmem>>
      %dma_start3A_921 = tpu.memref_squeeze %dma_start3A_920 : memref<1x256x64xf32, #tpu.memory_space<vmem>> -> memref<256x64xf32, #tpu.memory_space<vmem>>
      tpu.enqueue_dma source(%dma_start3A_921 : memref<256x64xf32, #tpu.memory_space<vmem>>) target(%dma_start3A_917 : memref<256x64xf32, #tpu.memory_space<hbm>>) target_semaphore(%arg11 : memref<!tpu.dma_semaphore, #tpu.memory_space<semaphore_mem>>)
      %mul3A_922 = arith.constant 4 : i32
      %mul3A_923 = arith.muli %scan3A_808, %mul3A_922 : i32
      %add3A_924 = arith.constant 1 : i32
      %add3A_925 = arith.addi %mul3A_923, %add3A_924 : i32
      %dma_wait3A_926 = arith.constant 2 : i32
      %dma_wait3A_927 = arith.constant 0 : i32
      %dma_wait3A_928 = arith.constant 0 : i32
      %dma_wait3A_929 = tpu.memref_slice %arg6[%dma_wait3A_926, %dma_wait3A_927, %dma_wait3A_928] : memref<4x256x64xf32, #tpu.memory_space<vmem>> -> memref<1x256x64xf32, #tpu.memory_space<vmem>>
      %dma_wait3A_930 = tpu.memref_squeeze %dma_wait3A_929 : memref<1x256x64xf32, #tpu.memory_space<vmem>> -> memref<256x64xf32, #tpu.memory_space<vmem>>
      %dma_wait3A_931 = arith.constant 0 : i32
      %dma_wait3A_932 = tpu.memref_slice %arg4[%mul3A_4, %dma_wait3A_931] : memref<819200x64xf32, #tpu.memory_space<hbm>> -> memref<256x64xf32, #tpu.memory_space<hbm>>
      %dma_wait3A_933 = arith.constant 0 : i32
      %dma_wait3A_934 = tpu.memref_slice %arg4[%mul3A_4, %dma_wait3A_933] : memref<819200x64xf32, #tpu.memory_space<hbm>> -> memref<256x64xf32, #tpu.memory_space<hbm>>
      %dma_wait3A_935 = arith.constant 0 : i32
      %dma_wait3A_936 = arith.constant 0 : i32
      %dma_wait3A_937 = tpu.memref_slice %arg6[%dma_wait3A_926, %dma_wait3A_935, %dma_wait3A_936] : memref<4x256x64xf32, #tpu.memory_space<vmem>> -> memref<1x256x64xf32, #tpu.memory_space<vmem>>
      %dma_wait3A_938 = tpu.memref_squeeze %dma_wait3A_937 : memref<1x256x64xf32, #tpu.memory_space<vmem>> -> memref<256x64xf32, #tpu.memory_space<vmem>>
      tpu.wait_dma2 semaphore(%arg13 : memref<!tpu.dma_semaphore, #tpu.memory_space<semaphore_mem>>) src(%dma_wait3A_938 : memref<256x64xf32, #tpu.memory_space<vmem>>) dst(%dma_wait3A_934 : memref<256x64xf32, #tpu.memory_space<hbm>>)
      %add3A_939 = arith.constant 1 : i32
      %add3A_940 = arith.addi %add3A_925, %add3A_939 : i32
      %mul3A_941 = arith.constant 2 : i32
      %mul3A_942 = arith.muli %add3A_940, %mul3A_941 : i32
      %add3A_943 = arith.constant 0 : i32
      %add3A_944 = arith.addi %mul3A_942, %add3A_943 : i32
      %dma_start3A_945 = arith.constant 2 : i32
      %dma_start3A_946 = arith.constant 0 : i32
      %dma_start3A_947 = arith.constant 0 : i32
      %dma_start3A_948 = tpu.memref_slice %arg6[%dma_start3A_945, %dma_start3A_946, %dma_start3A_947] : memref<4x256x64xf32, #tpu.memory_space<vmem>> -> memref<1x256x64xf32, #tpu.memory_space<vmem>>
      %dma_start3A_949 = tpu.memref_squeeze %dma_start3A_948 : memref<1x256x64xf32, #tpu.memory_space<vmem>> -> memref<256x64xf32, #tpu.memory_space<vmem>>
      %dma_start3A_950 = arith.constant 0 : i32
      %dma_start3A_951 = arith.constant 0 : i32
      %dma_start3A_952 = tpu.memref_slice %dma_start3A_949[%dma_start3A_950, %dma_start3A_951] : memref<256x64xf32, #tpu.memory_space<vmem>> -> memref<128x64xf32, #tpu.memory_space<vmem>>
      %dma_start3A_953 = arith.constant 0 : i32
      %dma_start3A_954 = tpu.memref_slice %arg5[%add3A_944, %dma_start3A_953] : memref<200x128xi32, #tpu.memory_space<vmem>> -> memref<1x128xi32, #tpu.memory_space<vmem>>
      %dma_start3A_955 = tpu.memref_squeeze %dma_start3A_954 : memref<1x128xi32, #tpu.memory_space<vmem>> -> memref<128xi32, #tpu.memory_space<vmem>>
      %dma_start3A_956 = arith.constant 0 : i32
      %dma_start3A_957 = arith.constant 0 : i32
      %dma_start3A_958 = tpu.memref_slice %arg2[%dma_start3A_956, %dma_start3A_957] : memref<1000001x64xf32, #tpu.memory_space<hbm>> -> memref<1000001x64xf32, #tpu.memory_space<hbm>>
      tpu.enqueue_indirect_dma source(%dma_start3A_958 : memref<1000001x64xf32, #tpu.memory_space<hbm>>) target(%dma_start3A_952 : memref<128x64xf32, #tpu.memory_space<vmem>>) offsets(%dma_start3A_955 : memref<128xi32, #tpu.memory_space<vmem>>) semaphore(%arg9 : memref<!tpu.dma_semaphore, #tpu.memory_space<semaphore_mem>>)
      %mul3A_959 = arith.constant 2 : i32
      %mul3A_960 = arith.muli %add3A_940, %mul3A_959 : i32
      %add3A_961 = arith.constant 1 : i32
      %add3A_962 = arith.addi %mul3A_960, %add3A_961 : i32
      %dma_start3A_963 = arith.constant 2 : i32
      %dma_start3A_964 = arith.constant 0 : i32
      %dma_start3A_965 = arith.constant 0 : i32
      %dma_start3A_966 = tpu.memref_slice %arg6[%dma_start3A_963, %dma_start3A_964, %dma_start3A_965] : memref<4x256x64xf32, #tpu.memory_space<vmem>> -> memref<1x256x64xf32, #tpu.memory_space<vmem>>
      %dma_start3A_967 = tpu.memref_squeeze %dma_start3A_966 : memref<1x256x64xf32, #tpu.memory_space<vmem>> -> memref<256x64xf32, #tpu.memory_space<vmem>>
      %dma_start3A_968 = arith.constant 128 : i32
      %dma_start3A_969 = arith.constant 0 : i32
      %dma_start3A_970 = tpu.memref_slice %dma_start3A_967[%dma_start3A_968, %dma_start3A_969] : memref<256x64xf32, #tpu.memory_space<vmem>> -> memref<128x64xf32, #tpu.memory_space<vmem>>
      %dma_start3A_971 = arith.constant 0 : i32
      %dma_start3A_972 = tpu.memref_slice %arg5[%add3A_962, %dma_start3A_971] : memref<200x128xi32, #tpu.memory_space<vmem>> -> memref<1x128xi32, #tpu.memory_space<vmem>>
      %dma_start3A_973 = tpu.memref_squeeze %dma_start3A_972 : memref<1x128xi32, #tpu.memory_space<vmem>> -> memref<128xi32, #tpu.memory_space<vmem>>
      %dma_start3A_974 = arith.constant 0 : i32
      %dma_start3A_975 = arith.constant 0 : i32
      %dma_start3A_976 = tpu.memref_slice %arg2[%dma_start3A_974, %dma_start3A_975] : memref<1000001x64xf32, #tpu.memory_space<hbm>> -> memref<1000001x64xf32, #tpu.memory_space<hbm>>
      tpu.enqueue_indirect_dma source(%dma_start3A_976 : memref<1000001x64xf32, #tpu.memory_space<hbm>>) target(%dma_start3A_970 : memref<128x64xf32, #tpu.memory_space<vmem>>) offsets(%dma_start3A_973 : memref<128xi32, #tpu.memory_space<vmem>>) semaphore(%arg9 : memref<!tpu.dma_semaphore, #tpu.memory_space<semaphore_mem>>)
      %dma_wait3A_977 = arith.constant 1 : i32
      %dma_wait3A_978 = arith.constant 0 : i32
      %dma_wait3A_979 = arith.constant 0 : i32
      %dma_wait3A_980 = tpu.memref_slice %arg6[%dma_wait3A_977, %dma_wait3A_978, %dma_wait3A_979] : memref<4x256x64xf32, #tpu.memory_space<vmem>> -> memref<1x256x64xf32, #tpu.memory_space<vmem>>
      %dma_wait3A_981 = tpu.memref_squeeze %dma_wait3A_980 : memref<1x256x64xf32, #tpu.memory_space<vmem>> -> memref<256x64xf32, #tpu.memory_space<vmem>>
      %dma_wait3A_982 = arith.constant 0 : i32
      %dma_wait3A_983 = arith.constant 0 : i32
      %dma_wait3A_984 = tpu.memref_slice %dma_wait3A_981[%dma_wait3A_982, %dma_wait3A_983] : memref<256x64xf32, #tpu.memory_space<vmem>> -> memref<128x64xf32, #tpu.memory_space<vmem>>
      %dma_wait3A_985 = arith.constant 0 : i32
      %dma_wait3A_986 = arith.constant 0 : i32
      %dma_wait3A_987 = tpu.memref_slice %arg2[%dma_wait3A_985, %dma_wait3A_986] : memref<1000001x64xf32, #tpu.memory_space<hbm>> -> memref<128x64xf32, #tpu.memory_space<hbm>>
      %dma_wait3A_988 = arith.constant 0 : i32
      %dma_wait3A_989 = arith.constant 0 : i32
      %dma_wait3A_990 = tpu.memref_slice %arg6[%dma_wait3A_977, %dma_wait3A_988, %dma_wait3A_989] : memref<4x256x64xf32, #tpu.memory_space<vmem>> -> memref<1x256x64xf32, #tpu.memory_space<vmem>>
      %dma_wait3A_991 = tpu.memref_squeeze %dma_wait3A_990 : memref<1x256x64xf32, #tpu.memory_space<vmem>> -> memref<256x64xf32, #tpu.memory_space<vmem>>
      %dma_wait3A_992 = arith.constant 0 : i32
      %dma_wait3A_993 = arith.constant 0 : i32
      %dma_wait3A_994 = tpu.memref_slice %dma_wait3A_991[%dma_wait3A_992, %dma_wait3A_993] : memref<256x64xf32, #tpu.memory_space<vmem>> -> memref<128x64xf32, #tpu.memory_space<vmem>>
      %dma_wait3A_995 = arith.constant 0 : i32
      %dma_wait3A_996 = arith.constant 0 : i32
      %dma_wait3A_997 = tpu.memref_slice %arg2[%dma_wait3A_995, %dma_wait3A_996] : memref<1000001x64xf32, #tpu.memory_space<hbm>> -> memref<128x64xf32, #tpu.memory_space<hbm>>
      tpu.wait_dma2 semaphore(%arg8 : memref<!tpu.dma_semaphore, #tpu.memory_space<semaphore_mem>>) src(%dma_wait3A_997 : memref<128x64xf32, #tpu.memory_space<hbm>>) dst(%dma_wait3A_994 : memref<128x64xf32, #tpu.memory_space<vmem>>)
      %dma_wait3A_998 = arith.constant 1 : i32
      %dma_wait3A_999 = arith.constant 0 : i32
      %dma_wait3A_1000 = arith.constant 0 : i32
      %dma_wait3A_1001 = tpu.memref_slice %arg6[%dma_wait3A_998, %dma_wait3A_999, %dma_wait3A_1000] : memref<4x256x64xf32, #tpu.memory_space<vmem>> -> memref<1x256x64xf32, #tpu.memory_space<vmem>>
      %dma_wait3A_1002 = tpu.memref_squeeze %dma_wait3A_1001 : memref<1x256x64xf32, #tpu.memory_space<vmem>> -> memref<256x64xf32, #tpu.memory_space<vmem>>
      %dma_wait3A_1003 = arith.constant 128 : i32
      %dma_wait3A_1004 = arith.constant 0 : i32
      %dma_wait3A_1005 = tpu.memref_slice %dma_wait3A_1002[%dma_wait3A_1003, %dma_wait3A_1004] : memref<256x64xf32, #tpu.memory_space<vmem>> -> memref<128x64xf32, #tpu.memory_space<vmem>>
      %dma_wait3A_1006 = arith.constant 0 : i32
      %dma_wait3A_1007 = arith.constant 0 : i32
      %dma_wait3A_1008 = tpu.memref_slice %arg2[%dma_wait3A_1006, %dma_wait3A_1007] : memref<1000001x64xf32, #tpu.memory_space<hbm>> -> memref<128x64xf32, #tpu.memory_space<hbm>>
      %dma_wait3A_1009 = arith.constant 0 : i32
      %dma_wait3A_1010 = arith.constant 0 : i32
      %dma_wait3A_1011 = tpu.memref_slice %arg6[%dma_wait3A_998, %dma_wait3A_1009, %dma_wait3A_1010] : memref<4x256x64xf32, #tpu.memory_space<vmem>> -> memref<1x256x64xf32, #tpu.memory_space<vmem>>
      %dma_wait3A_1012 = tpu.memref_squeeze %dma_wait3A_1011 : memref<1x256x64xf32, #tpu.memory_space<vmem>> -> memref<256x64xf32, #tpu.memory_space<vmem>>
      %dma_wait3A_1013 = arith.constant 128 : i32
      %dma_wait3A_1014 = arith.constant 0 : i32
      %dma_wait3A_1015 = tpu.memref_slice %dma_wait3A_1012[%dma_wait3A_1013, %dma_wait3A_1014] : memref<256x64xf32, #tpu.memory_space<vmem>> -> memref<128x64xf32, #tpu.memory_space<vmem>>
      %dma_wait3A_1016 = arith.constant 0 : i32
      %dma_wait3A_1017 = arith.constant 0 : i32
      %dma_wait3A_1018 = tpu.memref_slice %arg2[%dma_wait3A_1016, %dma_wait3A_1017] : memref<1000001x64xf32, #tpu.memory_space<hbm>> -> memref<128x64xf32, #tpu.memory_space<hbm>>
      tpu.wait_dma2 semaphore(%arg8 : memref<!tpu.dma_semaphore, #tpu.memory_space<semaphore_mem>>) src(%dma_wait3A_1018 : memref<128x64xf32, #tpu.memory_space<hbm>>) dst(%dma_wait3A_1015 : memref<128x64xf32, #tpu.memory_space<vmem>>)
      %mul3A_1019 = arith.constant 256 : i32
      %mul3A_1020 = arith.muli %add3A_925, %mul3A_1019 : i32
      %add3A_1021 = arith.addi %mul3A_4, %mul3A_1020 : i32
      %dma_start3A_1022 = arith.constant 1 : i32
      %dma_start3A_1023 = arith.constant 0 : i32
      %dma_start3A_1024 = arith.constant 0 : i32
      %dma_start3A_1025 = tpu.memref_slice %arg6[%dma_start3A_1022, %dma_start3A_1023, %dma_start3A_1024] : memref<4x256x64xf32, #tpu.memory_space<vmem>> -> memref<1x256x64xf32, #tpu.memory_space<vmem>>
      %dma_start3A_1026 = tpu.memref_squeeze %dma_start3A_1025 : memref<1x256x64xf32, #tpu.memory_space<vmem>> -> memref<256x64xf32, #tpu.memory_space<vmem>>
      %dma_start3A_1027 = arith.constant 0 : i32
      %dma_start3A_1028 = tpu.memref_slice %arg4[%add3A_1021, %dma_start3A_1027] : memref<819200x64xf32, #tpu.memory_space<hbm>> -> memref<256x64xf32, #tpu.memory_space<hbm>>
      %dma_start3A_1029 = arith.constant 0 : i32
      %dma_start3A_1030 = tpu.memref_slice %arg4[%add3A_1021, %dma_start3A_1029] : memref<819200x64xf32, #tpu.memory_space<hbm>> -> memref<256x64xf32, #tpu.memory_space<hbm>>
      %dma_start3A_1031 = arith.constant 0 : i32
      %dma_start3A_1032 = arith.constant 0 : i32
      %dma_start3A_1033 = tpu.memref_slice %arg6[%dma_start3A_1022, %dma_start3A_1031, %dma_start3A_1032] : memref<4x256x64xf32, #tpu.memory_space<vmem>> -> memref<1x256x64xf32, #tpu.memory_space<vmem>>
      %dma_start3A_1034 = tpu.memref_squeeze %dma_start3A_1033 : memref<1x256x64xf32, #tpu.memory_space<vmem>> -> memref<256x64xf32, #tpu.memory_space<vmem>>
      tpu.enqueue_dma source(%dma_start3A_1034 : memref<256x64xf32, #tpu.memory_space<vmem>>) target(%dma_start3A_1030 : memref<256x64xf32, #tpu.memory_space<hbm>>) target_semaphore(%arg12 : memref<!tpu.dma_semaphore, #tpu.memory_space<semaphore_mem>>)
      %mul3A_1035 = arith.constant 4 : i32
      %mul3A_1036 = arith.muli %scan3A_808, %mul3A_1035 : i32
      %add3A_1037 = arith.constant 2 : i32
      %add3A_1038 = arith.addi %mul3A_1036, %add3A_1037 : i32
      %dma_wait3A_1039 = arith.constant 3 : i32
      %dma_wait3A_1040 = arith.constant 0 : i32
      %dma_wait3A_1041 = arith.constant 0 : i32
      %dma_wait3A_1042 = tpu.memref_slice %arg6[%dma_wait3A_1039, %dma_wait3A_1040, %dma_wait3A_1041] : memref<4x256x64xf32, #tpu.memory_space<vmem>> -> memref<1x256x64xf32, #tpu.memory_space<vmem>>
      %dma_wait3A_1043 = tpu.memref_squeeze %dma_wait3A_1042 : memref<1x256x64xf32, #tpu.memory_space<vmem>> -> memref<256x64xf32, #tpu.memory_space<vmem>>
      %dma_wait3A_1044 = arith.constant 0 : i32
      %dma_wait3A_1045 = tpu.memref_slice %arg4[%mul3A_4, %dma_wait3A_1044] : memref<819200x64xf32, #tpu.memory_space<hbm>> -> memref<256x64xf32, #tpu.memory_space<hbm>>
      %dma_wait3A_1046 = arith.constant 0 : i32
      %dma_wait3A_1047 = tpu.memref_slice %arg4[%mul3A_4, %dma_wait3A_1046] : memref<819200x64xf32, #tpu.memory_space<hbm>> -> memref<256x64xf32, #tpu.memory_space<hbm>>
      %dma_wait3A_1048 = arith.constant 0 : i32
      %dma_wait3A_1049 = arith.constant 0 : i32
      %dma_wait3A_1050 = tpu.memref_slice %arg6[%dma_wait3A_1039, %dma_wait3A_1048, %dma_wait3A_1049] : memref<4x256x64xf32, #tpu.memory_space<vmem>> -> memref<1x256x64xf32, #tpu.memory_space<vmem>>
      %dma_wait3A_1051 = tpu.memref_squeeze %dma_wait3A_1050 : memref<1x256x64xf32, #tpu.memory_space<vmem>> -> memref<256x64xf32, #tpu.memory_space<vmem>>
      tpu.wait_dma2 semaphore(%arg14 : memref<!tpu.dma_semaphore, #tpu.memory_space<semaphore_mem>>) src(%dma_wait3A_1051 : memref<256x64xf32, #tpu.memory_space<vmem>>) dst(%dma_wait3A_1047 : memref<256x64xf32, #tpu.memory_space<hbm>>)
      %add3A_1052 = arith.constant 1 : i32
      %add3A_1053 = arith.addi %add3A_1038, %add3A_1052 : i32
      %mul3A_1054 = arith.constant 2 : i32
      %mul3A_1055 = arith.muli %add3A_1053, %mul3A_1054 : i32
      %add3A_1056 = arith.constant 0 : i32
      %add3A_1057 = arith.addi %mul3A_1055, %add3A_1056 : i32
      %dma_start3A_1058 = arith.constant 3 : i32
      %dma_start3A_1059 = arith.constant 0 : i32
      %dma_start3A_1060 = arith.constant 0 : i32
      %dma_start3A_1061 = tpu.memref_slice %arg6[%dma_start3A_1058, %dma_start3A_1059, %dma_start3A_1060] : memref<4x256x64xf32, #tpu.memory_space<vmem>> -> memref<1x256x64xf32, #tpu.memory_space<vmem>>
      %dma_start3A_1062 = tpu.memref_squeeze %dma_start3A_1061 : memref<1x256x64xf32, #tpu.memory_space<vmem>> -> memref<256x64xf32, #tpu.memory_space<vmem>>
      %dma_start3A_1063 = arith.constant 0 : i32
      %dma_start3A_1064 = arith.constant 0 : i32
      %dma_start3A_1065 = tpu.memref_slice %dma_start3A_1062[%dma_start3A_1063, %dma_start3A_1064] : memref<256x64xf32, #tpu.memory_space<vmem>> -> memref<128x64xf32, #tpu.memory_space<vmem>>
      %dma_start3A_1066 = arith.constant 0 : i32
      %dma_start3A_1067 = tpu.memref_slice %arg5[%add3A_1057, %dma_start3A_1066] : memref<200x128xi32, #tpu.memory_space<vmem>> -> memref<1x128xi32, #tpu.memory_space<vmem>>
      %dma_start3A_1068 = tpu.memref_squeeze %dma_start3A_1067 : memref<1x128xi32, #tpu.memory_space<vmem>> -> memref<128xi32, #tpu.memory_space<vmem>>
      %dma_start3A_1069 = arith.constant 0 : i32
      %dma_start3A_1070 = arith.constant 0 : i32
      %dma_start3A_1071 = tpu.memref_slice %arg2[%dma_start3A_1069, %dma_start3A_1070] : memref<1000001x64xf32, #tpu.memory_space<hbm>> -> memref<1000001x64xf32, #tpu.memory_space<hbm>>
      tpu.enqueue_indirect_dma source(%dma_start3A_1071 : memref<1000001x64xf32, #tpu.memory_space<hbm>>) target(%dma_start3A_1065 : memref<128x64xf32, #tpu.memory_space<vmem>>) offsets(%dma_start3A_1068 : memref<128xi32, #tpu.memory_space<vmem>>) semaphore(%arg10 : memref<!tpu.dma_semaphore, #tpu.memory_space<semaphore_mem>>)
      %mul3A_1072 = arith.constant 2 : i32
      %mul3A_1073 = arith.muli %add3A_1053, %mul3A_1072 : i32
      %add3A_1074 = arith.constant 1 : i32
      %add3A_1075 = arith.addi %mul3A_1073, %add3A_1074 : i32
      %dma_start3A_1076 = arith.constant 3 : i32
      %dma_start3A_1077 = arith.constant 0 : i32
      %dma_start3A_1078 = arith.constant 0 : i32
      %dma_start3A_1079 = tpu.memref_slice %arg6[%dma_start3A_1076, %dma_start3A_1077, %dma_start3A_1078] : memref<4x256x64xf32, #tpu.memory_space<vmem>> -> memref<1x256x64xf32, #tpu.memory_space<vmem>>
      %dma_start3A_1080 = tpu.memref_squeeze %dma_start3A_1079 : memref<1x256x64xf32, #tpu.memory_space<vmem>> -> memref<256x64xf32, #tpu.memory_space<vmem>>
      %dma_start3A_1081 = arith.constant 128 : i32
      %dma_start3A_1082 = arith.constant 0 : i32
      %dma_start3A_1083 = tpu.memref_slice %dma_start3A_1080[%dma_start3A_1081, %dma_start3A_1082] : memref<256x64xf32, #tpu.memory_space<vmem>> -> memref<128x64xf32, #tpu.memory_space<vmem>>
      %dma_start3A_1084 = arith.constant 0 : i32
      %dma_start3A_1085 = tpu.memref_slice %arg5[%add3A_1075, %dma_start3A_1084] : memref<200x128xi32, #tpu.memory_space<vmem>> -> memref<1x128xi32, #tpu.memory_space<vmem>>
      %dma_start3A_1086 = tpu.memref_squeeze %dma_start3A_1085 : memref<1x128xi32, #tpu.memory_space<vmem>> -> memref<128xi32, #tpu.memory_space<vmem>>
      %dma_start3A_1087 = arith.constant 0 : i32
      %dma_start3A_1088 = arith.constant 0 : i32
      %dma_start3A_1089 = tpu.memref_slice %arg2[%dma_start3A_1087, %dma_start3A_1088] : memref<1000001x64xf32, #tpu.memory_space<hbm>> -> memref<1000001x64xf32, #tpu.memory_space<hbm>>
      tpu.enqueue_indirect_dma source(%dma_start3A_1089 : memref<1000001x64xf32, #tpu.memory_space<hbm>>) target(%dma_start3A_1083 : memref<128x64xf32, #tpu.memory_space<vmem>>) offsets(%dma_start3A_1086 : memref<128xi32, #tpu.memory_space<vmem>>) semaphore(%arg10 : memref<!tpu.dma_semaphore, #tpu.memory_space<semaphore_mem>>)
      %dma_wait3A_1090 = arith.constant 2 : i32
      %dma_wait3A_1091 = arith.constant 0 : i32
      %dma_wait3A_1092 = arith.constant 0 : i32
      %dma_wait3A_1093 = tpu.memref_slice %arg6[%dma_wait3A_1090, %dma_wait3A_1091, %dma_wait3A_1092] : memref<4x256x64xf32, #tpu.memory_space<vmem>> -> memref<1x256x64xf32, #tpu.memory_space<vmem>>
      %dma_wait3A_1094 = tpu.memref_squeeze %dma_wait3A_1093 : memref<1x256x64xf32, #tpu.memory_space<vmem>> -> memref<256x64xf32, #tpu.memory_space<vmem>>
      %dma_wait3A_1095 = arith.constant 0 : i32
      %dma_wait3A_1096 = arith.constant 0 : i32
      %dma_wait3A_1097 = tpu.memref_slice %dma_wait3A_1094[%dma_wait3A_1095, %dma_wait3A_1096] : memref<256x64xf32, #tpu.memory_space<vmem>> -> memref<128x64xf32, #tpu.memory_space<vmem>>
      %dma_wait3A_1098 = arith.constant 0 : i32
      %dma_wait3A_1099 = arith.constant 0 : i32
      %dma_wait3A_1100 = tpu.memref_slice %arg2[%dma_wait3A_1098, %dma_wait3A_1099] : memref<1000001x64xf32, #tpu.memory_space<hbm>> -> memref<128x64xf32, #tpu.memory_space<hbm>>
      %dma_wait3A_1101 = arith.constant 0 : i32
      %dma_wait3A_1102 = arith.constant 0 : i32
      %dma_wait3A_1103 = tpu.memref_slice %arg6[%dma_wait3A_1090, %dma_wait3A_1101, %dma_wait3A_1102] : memref<4x256x64xf32, #tpu.memory_space<vmem>> -> memref<1x256x64xf32, #tpu.memory_space<vmem>>
      %dma_wait3A_1104 = tpu.memref_squeeze %dma_wait3A_1103 : memref<1x256x64xf32, #tpu.memory_space<vmem>> -> memref<256x64xf32, #tpu.memory_space<vmem>>
      %dma_wait3A_1105 = arith.constant 0 : i32
      %dma_wait3A_1106 = arith.constant 0 : i32
      %dma_wait3A_1107 = tpu.memref_slice %dma_wait3A_1104[%dma_wait3A_1105, %dma_wait3A_1106] : memref<256x64xf32, #tpu.memory_space<vmem>> -> memref<128x64xf32, #tpu.memory_space<vmem>>
      %dma_wait3A_1108 = arith.constant 0 : i32
      %dma_wait3A_1109 = arith.constant 0 : i32
      %dma_wait3A_1110 = tpu.memref_slice %arg2[%dma_wait3A_1108, %dma_wait3A_1109] : memref<1000001x64xf32, #tpu.memory_space<hbm>> -> memref<128x64xf32, #tpu.memory_space<hbm>>
      tpu.wait_dma2 semaphore(%arg9 : memref<!tpu.dma_semaphore, #tpu.memory_space<semaphore_mem>>) src(%dma_wait3A_1110 : memref<128x64xf32, #tpu.memory_space<hbm>>) dst(%dma_wait3A_1107 : memref<128x64xf32, #tpu.memory_space<vmem>>)
      %dma_wait3A_1111 = arith.constant 2 : i32
      %dma_wait3A_1112 = arith.constant 0 : i32
      %dma_wait3A_1113 = arith.constant 0 : i32
      %dma_wait3A_1114 = tpu.memref_slice %arg6[%dma_wait3A_1111, %dma_wait3A_1112, %dma_wait3A_1113] : memref<4x256x64xf32, #tpu.memory_space<vmem>> -> memref<1x256x64xf32, #tpu.memory_space<vmem>>
      %dma_wait3A_1115 = tpu.memref_squeeze %dma_wait3A_1114 : memref<1x256x64xf32, #tpu.memory_space<vmem>> -> memref<256x64xf32, #tpu.memory_space<vmem>>
      %dma_wait3A_1116 = arith.constant 128 : i32
      %dma_wait3A_1117 = arith.constant 0 : i32
      %dma_wait3A_1118 = tpu.memref_slice %dma_wait3A_1115[%dma_wait3A_1116, %dma_wait3A_1117] : memref<256x64xf32, #tpu.memory_space<vmem>> -> memref<128x64xf32, #tpu.memory_space<vmem>>
      %dma_wait3A_1119 = arith.constant 0 : i32
      %dma_wait3A_1120 = arith.constant 0 : i32
      %dma_wait3A_1121 = tpu.memref_slice %arg2[%dma_wait3A_1119, %dma_wait3A_1120] : memref<1000001x64xf32, #tpu.memory_space<hbm>> -> memref<128x64xf32, #tpu.memory_space<hbm>>
      %dma_wait3A_1122 = arith.constant 0 : i32
      %dma_wait3A_1123 = arith.constant 0 : i32
      %dma_wait3A_1124 = tpu.memref_slice %arg6[%dma_wait3A_1111, %dma_wait3A_1122, %dma_wait3A_1123] : memref<4x256x64xf32, #tpu.memory_space<vmem>> -> memref<1x256x64xf32, #tpu.memory_space<vmem>>
      %dma_wait3A_1125 = tpu.memref_squeeze %dma_wait3A_1124 : memref<1x256x64xf32, #tpu.memory_space<vmem>> -> memref<256x64xf32, #tpu.memory_space<vmem>>
      %dma_wait3A_1126 = arith.constant 128 : i32
      %dma_wait3A_1127 = arith.constant 0 : i32
      %dma_wait3A_1128 = tpu.memref_slice %dma_wait3A_1125[%dma_wait3A_1126, %dma_wait3A_1127] : memref<256x64xf32, #tpu.memory_space<vmem>> -> memref<128x64xf32, #tpu.memory_space<vmem>>
      %dma_wait3A_1129 = arith.constant 0 : i32
      %dma_wait3A_1130 = arith.constant 0 : i32
      %dma_wait3A_1131 = tpu.memref_slice %arg2[%dma_wait3A_1129, %dma_wait3A_1130] : memref<1000001x64xf32, #tpu.memory_space<hbm>> -> memref<128x64xf32, #tpu.memory_space<hbm>>
      tpu.wait_dma2 semaphore(%arg9 : memref<!tpu.dma_semaphore, #tpu.memory_space<semaphore_mem>>) src(%dma_wait3A_1131 : memref<128x64xf32, #tpu.memory_space<hbm>>) dst(%dma_wait3A_1128 : memref<128x64xf32, #tpu.memory_space<vmem>>)
      %mul3A_1132 = arith.constant 256 : i32
      %mul3A_1133 = arith.muli %add3A_1038, %mul3A_1132 : i32
      %add3A_1134 = arith.addi %mul3A_4, %mul3A_1133 : i32
      %dma_start3A_1135 = arith.constant 2 : i32
      %dma_start3A_1136 = arith.constant 0 : i32
      %dma_start3A_1137 = arith.constant 0 : i32
      %dma_start3A_1138 = tpu.memref_slice %arg6[%dma_start3A_1135, %dma_start3A_1136, %dma_start3A_1137] : memref<4x256x64xf32, #tpu.memory_space<vmem>> -> memref<1x256x64xf32, #tpu.memory_space<vmem>>
      %dma_start3A_1139 = tpu.memref_squeeze %dma_start3A_1138 : memref<1x256x64xf32, #tpu.memory_space<vmem>> -> memref<256x64xf32, #tpu.memory_space<vmem>>
      %dma_start3A_1140 = arith.constant 0 : i32
      %dma_start3A_1141 = tpu.memref_slice %arg4[%add3A_1134, %dma_start3A_1140] : memref<819200x64xf32, #tpu.memory_space<hbm>> -> memref<256x64xf32, #tpu.memory_space<hbm>>
      %dma_start3A_1142 = arith.constant 0 : i32
      %dma_start3A_1143 = tpu.memref_slice %arg4[%add3A_1134, %dma_start3A_1142] : memref<819200x64xf32, #tpu.memory_space<hbm>> -> memref<256x64xf32, #tpu.memory_space<hbm>>
      %dma_start3A_1144 = arith.constant 0 : i32
      %dma_start3A_1145 = arith.constant 0 : i32
      %dma_start3A_1146 = tpu.memref_slice %arg6[%dma_start3A_1135, %dma_start3A_1144, %dma_start3A_1145] : memref<4x256x64xf32, #tpu.memory_space<vmem>> -> memref<1x256x64xf32, #tpu.memory_space<vmem>>
      %dma_start3A_1147 = tpu.memref_squeeze %dma_start3A_1146 : memref<1x256x64xf32, #tpu.memory_space<vmem>> -> memref<256x64xf32, #tpu.memory_space<vmem>>
      tpu.enqueue_dma source(%dma_start3A_1147 : memref<256x64xf32, #tpu.memory_space<vmem>>) target(%dma_start3A_1143 : memref<256x64xf32, #tpu.memory_space<hbm>>) target_semaphore(%arg13 : memref<!tpu.dma_semaphore, #tpu.memory_space<semaphore_mem>>)
      %mul3A_1148 = arith.constant 4 : i32
      %mul3A_1149 = arith.muli %scan3A_808, %mul3A_1148 : i32
      %add3A_1150 = arith.constant 3 : i32
      %add3A_1151 = arith.addi %mul3A_1149, %add3A_1150 : i32
      %dma_wait3A_1152 = arith.constant 0 : i32
      %dma_wait3A_1153 = arith.constant 0 : i32
      %dma_wait3A_1154 = arith.constant 0 : i32
      %dma_wait3A_1155 = tpu.memref_slice %arg6[%dma_wait3A_1152, %dma_wait3A_1153, %dma_wait3A_1154] : memref<4x256x64xf32, #tpu.memory_space<vmem>> -> memref<1x256x64xf32, #tpu.memory_space<vmem>>
      %dma_wait3A_1156 = tpu.memref_squeeze %dma_wait3A_1155 : memref<1x256x64xf32, #tpu.memory_space<vmem>> -> memref<256x64xf32, #tpu.memory_space<vmem>>
      %dma_wait3A_1157 = arith.constant 0 : i32
      %dma_wait3A_1158 = tpu.memref_slice %arg4[%mul3A_4, %dma_wait3A_1157] : memref<819200x64xf32, #tpu.memory_space<hbm>> -> memref<256x64xf32, #tpu.memory_space<hbm>>
      %dma_wait3A_1159 = arith.constant 0 : i32
      %dma_wait3A_1160 = tpu.memref_slice %arg4[%mul3A_4, %dma_wait3A_1159] : memref<819200x64xf32, #tpu.memory_space<hbm>> -> memref<256x64xf32, #tpu.memory_space<hbm>>
      %dma_wait3A_1161 = arith.constant 0 : i32
      %dma_wait3A_1162 = arith.constant 0 : i32
      %dma_wait3A_1163 = tpu.memref_slice %arg6[%dma_wait3A_1152, %dma_wait3A_1161, %dma_wait3A_1162] : memref<4x256x64xf32, #tpu.memory_space<vmem>> -> memref<1x256x64xf32, #tpu.memory_space<vmem>>
      %dma_wait3A_1164 = tpu.memref_squeeze %dma_wait3A_1163 : memref<1x256x64xf32, #tpu.memory_space<vmem>> -> memref<256x64xf32, #tpu.memory_space<vmem>>
      tpu.wait_dma2 semaphore(%arg11 : memref<!tpu.dma_semaphore, #tpu.memory_space<semaphore_mem>>) src(%dma_wait3A_1164 : memref<256x64xf32, #tpu.memory_space<vmem>>) dst(%dma_wait3A_1160 : memref<256x64xf32, #tpu.memory_space<hbm>>)
      %add3A_1165 = arith.constant 1 : i32
      %add3A_1166 = arith.addi %add3A_1151, %add3A_1165 : i32
      %mul3A_1167 = arith.constant 2 : i32
      %mul3A_1168 = arith.muli %add3A_1166, %mul3A_1167 : i32
      %add3A_1169 = arith.constant 0 : i32
      %add3A_1170 = arith.addi %mul3A_1168, %add3A_1169 : i32
      %dma_start3A_1171 = arith.constant 0 : i32
      %dma_start3A_1172 = arith.constant 0 : i32
      %dma_start3A_1173 = arith.constant 0 : i32
      %dma_start3A_1174 = tpu.memref_slice %arg6[%dma_start3A_1171, %dma_start3A_1172, %dma_start3A_1173] : memref<4x256x64xf32, #tpu.memory_space<vmem>> -> memref<1x256x64xf32, #tpu.memory_space<vmem>>
      %dma_start3A_1175 = tpu.memref_squeeze %dma_start3A_1174 : memref<1x256x64xf32, #tpu.memory_space<vmem>> -> memref<256x64xf32, #tpu.memory_space<vmem>>
      %dma_start3A_1176 = arith.constant 0 : i32
      %dma_start3A_1177 = arith.constant 0 : i32
      %dma_start3A_1178 = tpu.memref_slice %dma_start3A_1175[%dma_start3A_1176, %dma_start3A_1177] : memref<256x64xf32, #tpu.memory_space<vmem>> -> memref<128x64xf32, #tpu.memory_space<vmem>>
      %dma_start3A_1179 = arith.constant 0 : i32
      %dma_start3A_1180 = tpu.memref_slice %arg5[%add3A_1170, %dma_start3A_1179] : memref<200x128xi32, #tpu.memory_space<vmem>> -> memref<1x128xi32, #tpu.memory_space<vmem>>
      %dma_start3A_1181 = tpu.memref_squeeze %dma_start3A_1180 : memref<1x128xi32, #tpu.memory_space<vmem>> -> memref<128xi32, #tpu.memory_space<vmem>>
      %dma_start3A_1182 = arith.constant 0 : i32
      %dma_start3A_1183 = arith.constant 0 : i32
      %dma_start3A_1184 = tpu.memref_slice %arg2[%dma_start3A_1182, %dma_start3A_1183] : memref<1000001x64xf32, #tpu.memory_space<hbm>> -> memref<1000001x64xf32, #tpu.memory_space<hbm>>
      tpu.enqueue_indirect_dma source(%dma_start3A_1184 : memref<1000001x64xf32, #tpu.memory_space<hbm>>) target(%dma_start3A_1178 : memref<128x64xf32, #tpu.memory_space<vmem>>) offsets(%dma_start3A_1181 : memref<128xi32, #tpu.memory_space<vmem>>) semaphore(%arg7 : memref<!tpu.dma_semaphore, #tpu.memory_space<semaphore_mem>>)
      %mul3A_1185 = arith.constant 2 : i32
      %mul3A_1186 = arith.muli %add3A_1166, %mul3A_1185 : i32
      %add3A_1187 = arith.constant 1 : i32
      %add3A_1188 = arith.addi %mul3A_1186, %add3A_1187 : i32
      %dma_start3A_1189 = arith.constant 0 : i32
      %dma_start3A_1190 = arith.constant 0 : i32
      %dma_start3A_1191 = arith.constant 0 : i32
      %dma_start3A_1192 = tpu.memref_slice %arg6[%dma_start3A_1189, %dma_start3A_1190, %dma_start3A_1191] : memref<4x256x64xf32, #tpu.memory_space<vmem>> -> memref<1x256x64xf32, #tpu.memory_space<vmem>>
      %dma_start3A_1193 = tpu.memref_squeeze %dma_start3A_1192 : memref<1x256x64xf32, #tpu.memory_space<vmem>> -> memref<256x64xf32, #tpu.memory_space<vmem>>
      %dma_start3A_1194 = arith.constant 128 : i32
      %dma_start3A_1195 = arith.constant 0 : i32
      %dma_start3A_1196 = tpu.memref_slice %dma_start3A_1193[%dma_start3A_1194, %dma_start3A_1195] : memref<256x64xf32, #tpu.memory_space<vmem>> -> memref<128x64xf32, #tpu.memory_space<vmem>>
      %dma_start3A_1197 = arith.constant 0 : i32
      %dma_start3A_1198 = tpu.memref_slice %arg5[%add3A_1188, %dma_start3A_1197] : memref<200x128xi32, #tpu.memory_space<vmem>> -> memref<1x128xi32, #tpu.memory_space<vmem>>
      %dma_start3A_1199 = tpu.memref_squeeze %dma_start3A_1198 : memref<1x128xi32, #tpu.memory_space<vmem>> -> memref<128xi32, #tpu.memory_space<vmem>>
      %dma_start3A_1200 = arith.constant 0 : i32
      %dma_start3A_1201 = arith.constant 0 : i32
      %dma_start3A_1202 = tpu.memref_slice %arg2[%dma_start3A_1200, %dma_start3A_1201] : memref<1000001x64xf32, #tpu.memory_space<hbm>> -> memref<1000001x64xf32, #tpu.memory_space<hbm>>
      tpu.enqueue_indirect_dma source(%dma_start3A_1202 : memref<1000001x64xf32, #tpu.memory_space<hbm>>) target(%dma_start3A_1196 : memref<128x64xf32, #tpu.memory_space<vmem>>) offsets(%dma_start3A_1199 : memref<128xi32, #tpu.memory_space<vmem>>) semaphore(%arg7 : memref<!tpu.dma_semaphore, #tpu.memory_space<semaphore_mem>>)
      %dma_wait3A_1203 = arith.constant 3 : i32
      %dma_wait3A_1204 = arith.constant 0 : i32
      %dma_wait3A_1205 = arith.constant 0 : i32
      %dma_wait3A_1206 = tpu.memref_slice %arg6[%dma_wait3A_1203, %dma_wait3A_1204, %dma_wait3A_1205] : memref<4x256x64xf32, #tpu.memory_space<vmem>> -> memref<1x256x64xf32, #tpu.memory_space<vmem>>
      %dma_wait3A_1207 = tpu.memref_squeeze %dma_wait3A_1206 : memref<1x256x64xf32, #tpu.memory_space<vmem>> -> memref<256x64xf32, #tpu.memory_space<vmem>>
      %dma_wait3A_1208 = arith.constant 0 : i32
      %dma_wait3A_1209 = arith.constant 0 : i32
      %dma_wait3A_1210 = tpu.memref_slice %dma_wait3A_1207[%dma_wait3A_1208, %dma_wait3A_1209] : memref<256x64xf32, #tpu.memory_space<vmem>> -> memref<128x64xf32, #tpu.memory_space<vmem>>
      %dma_wait3A_1211 = arith.constant 0 : i32
      %dma_wait3A_1212 = arith.constant 0 : i32
      %dma_wait3A_1213 = tpu.memref_slice %arg2[%dma_wait3A_1211, %dma_wait3A_1212] : memref<1000001x64xf32, #tpu.memory_space<hbm>> -> memref<128x64xf32, #tpu.memory_space<hbm>>
      %dma_wait3A_1214 = arith.constant 0 : i32
      %dma_wait3A_1215 = arith.constant 0 : i32
      %dma_wait3A_1216 = tpu.memref_slice %arg6[%dma_wait3A_1203, %dma_wait3A_1214, %dma_wait3A_1215] : memref<4x256x64xf32, #tpu.memory_space<vmem>> -> memref<1x256x64xf32, #tpu.memory_space<vmem>>
      %dma_wait3A_1217 = tpu.memref_squeeze %dma_wait3A_1216 : memref<1x256x64xf32, #tpu.memory_space<vmem>> -> memref<256x64xf32, #tpu.memory_space<vmem>>
      %dma_wait3A_1218 = arith.constant 0 : i32
      %dma_wait3A_1219 = arith.constant 0 : i32
      %dma_wait3A_1220 = tpu.memref_slice %dma_wait3A_1217[%dma_wait3A_1218, %dma_wait3A_1219] : memref<256x64xf32, #tpu.memory_space<vmem>> -> memref<128x64xf32, #tpu.memory_space<vmem>>
      %dma_wait3A_1221 = arith.constant 0 : i32
      %dma_wait3A_1222 = arith.constant 0 : i32
      %dma_wait3A_1223 = tpu.memref_slice %arg2[%dma_wait3A_1221, %dma_wait3A_1222] : memref<1000001x64xf32, #tpu.memory_space<hbm>> -> memref<128x64xf32, #tpu.memory_space<hbm>>
      tpu.wait_dma2 semaphore(%arg10 : memref<!tpu.dma_semaphore, #tpu.memory_space<semaphore_mem>>) src(%dma_wait3A_1223 : memref<128x64xf32, #tpu.memory_space<hbm>>) dst(%dma_wait3A_1220 : memref<128x64xf32, #tpu.memory_space<vmem>>)
      %dma_wait3A_1224 = arith.constant 3 : i32
      %dma_wait3A_1225 = arith.constant 0 : i32
      %dma_wait3A_1226 = arith.constant 0 : i32
      %dma_wait3A_1227 = tpu.memref_slice %arg6[%dma_wait3A_1224, %dma_wait3A_1225, %dma_wait3A_1226] : memref<4x256x64xf32, #tpu.memory_space<vmem>> -> memref<1x256x64xf32, #tpu.memory_space<vmem>>
      %dma_wait3A_1228 = tpu.memref_squeeze %dma_wait3A_1227 : memref<1x256x64xf32, #tpu.memory_space<vmem>> -> memref<256x64xf32, #tpu.memory_space<vmem>>
      %dma_wait3A_1229 = arith.constant 128 : i32
      %dma_wait3A_1230 = arith.constant 0 : i32
      %dma_wait3A_1231 = tpu.memref_slice %dma_wait3A_1228[%dma_wait3A_1229, %dma_wait3A_1230] : memref<256x64xf32, #tpu.memory_space<vmem>> -> memref<128x64xf32, #tpu.memory_space<vmem>>
      %dma_wait3A_1232 = arith.constant 0 : i32
      %dma_wait3A_1233 = arith.constant 0 : i32
      %dma_wait3A_1234 = tpu.memref_slice %arg2[%dma_wait3A_1232, %dma_wait3A_1233] : memref<1000001x64xf32, #tpu.memory_space<hbm>> -> memref<128x64xf32, #tpu.memory_space<hbm>>
      %dma_wait3A_1235 = arith.constant 0 : i32
      %dma_wait3A_1236 = arith.constant 0 : i32
      %dma_wait3A_1237 = tpu.memref_slice %arg6[%dma_wait3A_1224, %dma_wait3A_1235, %dma_wait3A_1236] : memref<4x256x64xf32, #tpu.memory_space<vmem>> -> memref<1x256x64xf32, #tpu.memory_space<vmem>>
      %dma_wait3A_1238 = tpu.memref_squeeze %dma_wait3A_1237 : memref<1x256x64xf32, #tpu.memory_space<vmem>> -> memref<256x64xf32, #tpu.memory_space<vmem>>
      %dma_wait3A_1239 = arith.constant 128 : i32
      %dma_wait3A_1240 = arith.constant 0 : i32
      %dma_wait3A_1241 = tpu.memref_slice %dma_wait3A_1238[%dma_wait3A_1239, %dma_wait3A_1240] : memref<256x64xf32, #tpu.memory_space<vmem>> -> memref<128x64xf32, #tpu.memory_space<vmem>>
      %dma_wait3A_1242 = arith.constant 0 : i32
      %dma_wait3A_1243 = arith.constant 0 : i32
      %dma_wait3A_1244 = tpu.memref_slice %arg2[%dma_wait3A_1242, %dma_wait3A_1243] : memref<1000001x64xf32, #tpu.memory_space<hbm>> -> memref<128x64xf32, #tpu.memory_space<hbm>>
      tpu.wait_dma2 semaphore(%arg10 : memref<!tpu.dma_semaphore, #tpu.memory_space<semaphore_mem>>) src(%dma_wait3A_1244 : memref<128x64xf32, #tpu.memory_space<hbm>>) dst(%dma_wait3A_1241 : memref<128x64xf32, #tpu.memory_space<vmem>>)
      %mul3A_1245 = arith.constant 256 : i32
      %mul3A_1246 = arith.muli %add3A_1151, %mul3A_1245 : i32
      %add3A_1247 = arith.addi %mul3A_4, %mul3A_1246 : i32
      %dma_start3A_1248 = arith.constant 3 : i32
      %dma_start3A_1249 = arith.constant 0 : i32
      %dma_start3A_1250 = arith.constant 0 : i32
      %dma_start3A_1251 = tpu.memref_slice %arg6[%dma_start3A_1248, %dma_start3A_1249, %dma_start3A_1250] : memref<4x256x64xf32, #tpu.memory_space<vmem>> -> memref<1x256x64xf32, #tpu.memory_space<vmem>>
      %dma_start3A_1252 = tpu.memref_squeeze %dma_start3A_1251 : memref<1x256x64xf32, #tpu.memory_space<vmem>> -> memref<256x64xf32, #tpu.memory_space<vmem>>
      %dma_start3A_1253 = arith.constant 0 : i32
      %dma_start3A_1254 = tpu.memref_slice %arg4[%add3A_1247, %dma_start3A_1253] : memref<819200x64xf32, #tpu.memory_space<hbm>> -> memref<256x64xf32, #tpu.memory_space<hbm>>
      %dma_start3A_1255 = arith.constant 0 : i32
      %dma_start3A_1256 = tpu.memref_slice %arg4[%add3A_1247, %dma_start3A_1255] : memref<819200x64xf32, #tpu.memory_space<hbm>> -> memref<256x64xf32, #tpu.memory_space<hbm>>
      %dma_start3A_1257 = arith.constant 0 : i32
      %dma_start3A_1258 = arith.constant 0 : i32
      %dma_start3A_1259 = tpu.memref_slice %arg6[%dma_start3A_1248, %dma_start3A_1257, %dma_start3A_1258] : memref<4x256x64xf32, #tpu.memory_space<vmem>> -> memref<1x256x64xf32, #tpu.memory_space<vmem>>
      %dma_start3A_1260 = tpu.memref_squeeze %dma_start3A_1259 : memref<1x256x64xf32, #tpu.memory_space<vmem>> -> memref<256x64xf32, #tpu.memory_space<vmem>>
      tpu.enqueue_dma source(%dma_start3A_1260 : memref<256x64xf32, #tpu.memory_space<vmem>>) target(%dma_start3A_1256 : memref<256x64xf32, #tpu.memory_space<hbm>>) target_semaphore(%arg14 : memref<!tpu.dma_semaphore, #tpu.memory_space<semaphore_mem>>)
    }
    %scan3A_398 = arith.constant 23 : i32
    %dma_wait3A_399 = arith.constant 1 : i32
    %dma_wait3A_400 = arith.constant 0 : i32
    %dma_wait3A_401 = arith.constant 0 : i32
    %dma_wait3A_402 = tpu.memref_slice %arg6[%dma_wait3A_399, %dma_wait3A_400, %dma_wait3A_401] : memref<4x256x64xf32, #tpu.memory_space<vmem>> -> memref<1x256x64xf32, #tpu.memory_space<vmem>>
    %dma_wait3A_403 = tpu.memref_squeeze %dma_wait3A_402 : memref<1x256x64xf32, #tpu.memory_space<vmem>> -> memref<256x64xf32, #tpu.memory_space<vmem>>
    %dma_wait3A_404 = arith.constant 0 : i32
    %dma_wait3A_405 = tpu.memref_slice %arg4[%mul3A_4, %dma_wait3A_404] : memref<819200x64xf32, #tpu.memory_space<hbm>> -> memref<256x64xf32, #tpu.memory_space<hbm>>
    %dma_wait3A_406 = arith.constant 0 : i32
    %dma_wait3A_407 = tpu.memref_slice %arg4[%mul3A_4, %dma_wait3A_406] : memref<819200x64xf32, #tpu.memory_space<hbm>> -> memref<256x64xf32, #tpu.memory_space<hbm>>
    %dma_wait3A_408 = arith.constant 0 : i32
    %dma_wait3A_409 = arith.constant 0 : i32
    %dma_wait3A_410 = tpu.memref_slice %arg6[%dma_wait3A_399, %dma_wait3A_408, %dma_wait3A_409] : memref<4x256x64xf32, #tpu.memory_space<vmem>> -> memref<1x256x64xf32, #tpu.memory_space<vmem>>
    %dma_wait3A_411 = tpu.memref_squeeze %dma_wait3A_410 : memref<1x256x64xf32, #tpu.memory_space<vmem>> -> memref<256x64xf32, #tpu.memory_space<vmem>>
    tpu.wait_dma2 semaphore(%arg12 : memref<!tpu.dma_semaphore, #tpu.memory_space<semaphore_mem>>) src(%dma_wait3A_411 : memref<256x64xf32, #tpu.memory_space<vmem>>) dst(%dma_wait3A_407 : memref<256x64xf32, #tpu.memory_space<hbm>>)
    %dma_start3A_412 = arith.constant 194 : i32
    %dma_start3A_413 = arith.constant 1 : i32
    %dma_start3A_414 = arith.constant 0 : i32
    %dma_start3A_415 = arith.constant 0 : i32
    %dma_start3A_416 = tpu.memref_slice %arg6[%dma_start3A_413, %dma_start3A_414, %dma_start3A_415] : memref<4x256x64xf32, #tpu.memory_space<vmem>> -> memref<1x256x64xf32, #tpu.memory_space<vmem>>
    %dma_start3A_417 = tpu.memref_squeeze %dma_start3A_416 : memref<1x256x64xf32, #tpu.memory_space<vmem>> -> memref<256x64xf32, #tpu.memory_space<vmem>>
    %dma_start3A_418 = arith.constant 0 : i32
    %dma_start3A_419 = arith.constant 0 : i32
    %dma_start3A_420 = tpu.memref_slice %dma_start3A_417[%dma_start3A_418, %dma_start3A_419] : memref<256x64xf32, #tpu.memory_space<vmem>> -> memref<128x64xf32, #tpu.memory_space<vmem>>
    %dma_start3A_421 = arith.constant 0 : i32
    %dma_start3A_422 = tpu.memref_slice %arg5[%dma_start3A_412, %dma_start3A_421] : memref<200x128xi32, #tpu.memory_space<vmem>> -> memref<1x128xi32, #tpu.memory_space<vmem>>
    %dma_start3A_423 = tpu.memref_squeeze %dma_start3A_422 : memref<1x128xi32, #tpu.memory_space<vmem>> -> memref<128xi32, #tpu.memory_space<vmem>>
    %dma_start3A_424 = arith.constant 0 : i32
    %dma_start3A_425 = arith.constant 0 : i32
    %dma_start3A_426 = tpu.memref_slice %arg2[%dma_start3A_424, %dma_start3A_425] : memref<1000001x64xf32, #tpu.memory_space<hbm>> -> memref<1000001x64xf32, #tpu.memory_space<hbm>>
    tpu.enqueue_indirect_dma source(%dma_start3A_426 : memref<1000001x64xf32, #tpu.memory_space<hbm>>) target(%dma_start3A_420 : memref<128x64xf32, #tpu.memory_space<vmem>>) offsets(%dma_start3A_423 : memref<128xi32, #tpu.memory_space<vmem>>) semaphore(%arg8 : memref<!tpu.dma_semaphore, #tpu.memory_space<semaphore_mem>>)
    %dma_start3A_427 = arith.constant 195 : i32
    %dma_start3A_428 = arith.constant 1 : i32
    %dma_start3A_429 = arith.constant 0 : i32
    %dma_start3A_430 = arith.constant 0 : i32
    %dma_start3A_431 = tpu.memref_slice %arg6[%dma_start3A_428, %dma_start3A_429, %dma_start3A_430] : memref<4x256x64xf32, #tpu.memory_space<vmem>> -> memref<1x256x64xf32, #tpu.memory_space<vmem>>
    %dma_start3A_432 = tpu.memref_squeeze %dma_start3A_431 : memref<1x256x64xf32, #tpu.memory_space<vmem>> -> memref<256x64xf32, #tpu.memory_space<vmem>>
    %dma_start3A_433 = arith.constant 128 : i32
    %dma_start3A_434 = arith.constant 0 : i32
    %dma_start3A_435 = tpu.memref_slice %dma_start3A_432[%dma_start3A_433, %dma_start3A_434] : memref<256x64xf32, #tpu.memory_space<vmem>> -> memref<128x64xf32, #tpu.memory_space<vmem>>
    %dma_start3A_436 = arith.constant 0 : i32
    %dma_start3A_437 = tpu.memref_slice %arg5[%dma_start3A_427, %dma_start3A_436] : memref<200x128xi32, #tpu.memory_space<vmem>> -> memref<1x128xi32, #tpu.memory_space<vmem>>
    %dma_start3A_438 = tpu.memref_squeeze %dma_start3A_437 : memref<1x128xi32, #tpu.memory_space<vmem>> -> memref<128xi32, #tpu.memory_space<vmem>>
    %dma_start3A_439 = arith.constant 0 : i32
    %dma_start3A_440 = arith.constant 0 : i32
    %dma_start3A_441 = tpu.memref_slice %arg2[%dma_start3A_439, %dma_start3A_440] : memref<1000001x64xf32, #tpu.memory_space<hbm>> -> memref<1000001x64xf32, #tpu.memory_space<hbm>>
    tpu.enqueue_indirect_dma source(%dma_start3A_441 : memref<1000001x64xf32, #tpu.memory_space<hbm>>) target(%dma_start3A_435 : memref<128x64xf32, #tpu.memory_space<vmem>>) offsets(%dma_start3A_438 : memref<128xi32, #tpu.memory_space<vmem>>) semaphore(%arg8 : memref<!tpu.dma_semaphore, #tpu.memory_space<semaphore_mem>>)
    %dma_wait3A_442 = arith.constant 0 : i32
    %dma_wait3A_443 = arith.constant 0 : i32
    %dma_wait3A_444 = arith.constant 0 : i32
    %dma_wait3A_445 = tpu.memref_slice %arg6[%dma_wait3A_442, %dma_wait3A_443, %dma_wait3A_444] : memref<4x256x64xf32, #tpu.memory_space<vmem>> -> memref<1x256x64xf32, #tpu.memory_space<vmem>>
    %dma_wait3A_446 = tpu.memref_squeeze %dma_wait3A_445 : memref<1x256x64xf32, #tpu.memory_space<vmem>> -> memref<256x64xf32, #tpu.memory_space<vmem>>
    %dma_wait3A_447 = arith.constant 0 : i32
    %dma_wait3A_448 = arith.constant 0 : i32
    %dma_wait3A_449 = tpu.memref_slice %dma_wait3A_446[%dma_wait3A_447, %dma_wait3A_448] : memref<256x64xf32, #tpu.memory_space<vmem>> -> memref<128x64xf32, #tpu.memory_space<vmem>>
    %dma_wait3A_450 = arith.constant 0 : i32
    %dma_wait3A_451 = arith.constant 0 : i32
    %dma_wait3A_452 = tpu.memref_slice %arg2[%dma_wait3A_450, %dma_wait3A_451] : memref<1000001x64xf32, #tpu.memory_space<hbm>> -> memref<128x64xf32, #tpu.memory_space<hbm>>
    %dma_wait3A_453 = arith.constant 0 : i32
    %dma_wait3A_454 = arith.constant 0 : i32
    %dma_wait3A_455 = tpu.memref_slice %arg6[%dma_wait3A_442, %dma_wait3A_453, %dma_wait3A_454] : memref<4x256x64xf32, #tpu.memory_space<vmem>> -> memref<1x256x64xf32, #tpu.memory_space<vmem>>
    %dma_wait3A_456 = tpu.memref_squeeze %dma_wait3A_455 : memref<1x256x64xf32, #tpu.memory_space<vmem>> -> memref<256x64xf32, #tpu.memory_space<vmem>>
    %dma_wait3A_457 = arith.constant 0 : i32
    %dma_wait3A_458 = arith.constant 0 : i32
    %dma_wait3A_459 = tpu.memref_slice %dma_wait3A_456[%dma_wait3A_457, %dma_wait3A_458] : memref<256x64xf32, #tpu.memory_space<vmem>> -> memref<128x64xf32, #tpu.memory_space<vmem>>
    %dma_wait3A_460 = arith.constant 0 : i32
    %dma_wait3A_461 = arith.constant 0 : i32
    %dma_wait3A_462 = tpu.memref_slice %arg2[%dma_wait3A_460, %dma_wait3A_461] : memref<1000001x64xf32, #tpu.memory_space<hbm>> -> memref<128x64xf32, #tpu.memory_space<hbm>>
    tpu.wait_dma2 semaphore(%arg7 : memref<!tpu.dma_semaphore, #tpu.memory_space<semaphore_mem>>) src(%dma_wait3A_462 : memref<128x64xf32, #tpu.memory_space<hbm>>) dst(%dma_wait3A_459 : memref<128x64xf32, #tpu.memory_space<vmem>>)
    %dma_wait3A_463 = arith.constant 0 : i32
    %dma_wait3A_464 = arith.constant 0 : i32
    %dma_wait3A_465 = arith.constant 0 : i32
    %dma_wait3A_466 = tpu.memref_slice %arg6[%dma_wait3A_463, %dma_wait3A_464, %dma_wait3A_465] : memref<4x256x64xf32, #tpu.memory_space<vmem>> -> memref<1x256x64xf32, #tpu.memory_space<vmem>>
    %dma_wait3A_467 = tpu.memref_squeeze %dma_wait3A_466 : memref<1x256x64xf32, #tpu.memory_space<vmem>> -> memref<256x64xf32, #tpu.memory_space<vmem>>
    %dma_wait3A_468 = arith.constant 128 : i32
    %dma_wait3A_469 = arith.constant 0 : i32
    %dma_wait3A_470 = tpu.memref_slice %dma_wait3A_467[%dma_wait3A_468, %dma_wait3A_469] : memref<256x64xf32, #tpu.memory_space<vmem>> -> memref<128x64xf32, #tpu.memory_space<vmem>>
    %dma_wait3A_471 = arith.constant 0 : i32
    %dma_wait3A_472 = arith.constant 0 : i32
    %dma_wait3A_473 = tpu.memref_slice %arg2[%dma_wait3A_471, %dma_wait3A_472] : memref<1000001x64xf32, #tpu.memory_space<hbm>> -> memref<128x64xf32, #tpu.memory_space<hbm>>
    %dma_wait3A_474 = arith.constant 0 : i32
    %dma_wait3A_475 = arith.constant 0 : i32
    %dma_wait3A_476 = tpu.memref_slice %arg6[%dma_wait3A_463, %dma_wait3A_474, %dma_wait3A_475] : memref<4x256x64xf32, #tpu.memory_space<vmem>> -> memref<1x256x64xf32, #tpu.memory_space<vmem>>
    %dma_wait3A_477 = tpu.memref_squeeze %dma_wait3A_476 : memref<1x256x64xf32, #tpu.memory_space<vmem>> -> memref<256x64xf32, #tpu.memory_space<vmem>>
    %dma_wait3A_478 = arith.constant 128 : i32
    %dma_wait3A_479 = arith.constant 0 : i32
    %dma_wait3A_480 = tpu.memref_slice %dma_wait3A_477[%dma_wait3A_478, %dma_wait3A_479] : memref<256x64xf32, #tpu.memory_space<vmem>> -> memref<128x64xf32, #tpu.memory_space<vmem>>
    %dma_wait3A_481 = arith.constant 0 : i32
    %dma_wait3A_482 = arith.constant 0 : i32
    %dma_wait3A_483 = tpu.memref_slice %arg2[%dma_wait3A_481, %dma_wait3A_482] : memref<1000001x64xf32, #tpu.memory_space<hbm>> -> memref<128x64xf32, #tpu.memory_space<hbm>>
    tpu.wait_dma2 semaphore(%arg7 : memref<!tpu.dma_semaphore, #tpu.memory_space<semaphore_mem>>) src(%dma_wait3A_483 : memref<128x64xf32, #tpu.memory_space<hbm>>) dst(%dma_wait3A_480 : memref<128x64xf32, #tpu.memory_space<vmem>>)
    %add3A_484 = arith.constant 24576 : i32
    %add3A_485 = arith.addi %mul3A_4, %add3A_484 : i32
    %dma_start3A_486 = arith.constant 0 : i32
    %dma_start3A_487 = arith.constant 0 : i32
    %dma_start3A_488 = arith.constant 0 : i32
    %dma_start3A_489 = tpu.memref_slice %arg6[%dma_start3A_486, %dma_start3A_487, %dma_start3A_488] : memref<4x256x64xf32, #tpu.memory_space<vmem>> -> memref<1x256x64xf32, #tpu.memory_space<vmem>>
    %dma_start3A_490 = tpu.memref_squeeze %dma_start3A_489 : memref<1x256x64xf32, #tpu.memory_space<vmem>> -> memref<256x64xf32, #tpu.memory_space<vmem>>
    %dma_start3A_491 = arith.constant 0 : i32
    %dma_start3A_492 = tpu.memref_slice %arg4[%add3A_485, %dma_start3A_491] : memref<819200x64xf32, #tpu.memory_space<hbm>> -> memref<256x64xf32, #tpu.memory_space<hbm>>
    %dma_start3A_493 = arith.constant 0 : i32
    %dma_start3A_494 = tpu.memref_slice %arg4[%add3A_485, %dma_start3A_493] : memref<819200x64xf32, #tpu.memory_space<hbm>> -> memref<256x64xf32, #tpu.memory_space<hbm>>
    %dma_start3A_495 = arith.constant 0 : i32
    %dma_start3A_496 = arith.constant 0 : i32
    %dma_start3A_497 = tpu.memref_slice %arg6[%dma_start3A_486, %dma_start3A_495, %dma_start3A_496] : memref<4x256x64xf32, #tpu.memory_space<vmem>> -> memref<1x256x64xf32, #tpu.memory_space<vmem>>
    %dma_start3A_498 = tpu.memref_squeeze %dma_start3A_497 : memref<1x256x64xf32, #tpu.memory_space<vmem>> -> memref<256x64xf32, #tpu.memory_space<vmem>>
    tpu.enqueue_dma source(%dma_start3A_498 : memref<256x64xf32, #tpu.memory_space<vmem>>) target(%dma_start3A_494 : memref<256x64xf32, #tpu.memory_space<hbm>>) target_semaphore(%arg11 : memref<!tpu.dma_semaphore, #tpu.memory_space<semaphore_mem>>)
    %dma_wait3A_499 = arith.constant 2 : i32
    %dma_wait3A_500 = arith.constant 0 : i32
    %dma_wait3A_501 = arith.constant 0 : i32
    %dma_wait3A_502 = tpu.memref_slice %arg6[%dma_wait3A_499, %dma_wait3A_500, %dma_wait3A_501] : memref<4x256x64xf32, #tpu.memory_space<vmem>> -> memref<1x256x64xf32, #tpu.memory_space<vmem>>
    %dma_wait3A_503 = tpu.memref_squeeze %dma_wait3A_502 : memref<1x256x64xf32, #tpu.memory_space<vmem>> -> memref<256x64xf32, #tpu.memory_space<vmem>>
    %dma_wait3A_504 = arith.constant 0 : i32
    %dma_wait3A_505 = tpu.memref_slice %arg4[%mul3A_4, %dma_wait3A_504] : memref<819200x64xf32, #tpu.memory_space<hbm>> -> memref<256x64xf32, #tpu.memory_space<hbm>>
    %dma_wait3A_506 = arith.constant 0 : i32
    %dma_wait3A_507 = tpu.memref_slice %arg4[%mul3A_4, %dma_wait3A_506] : memref<819200x64xf32, #tpu.memory_space<hbm>> -> memref<256x64xf32, #tpu.memory_space<hbm>>
    %dma_wait3A_508 = arith.constant 0 : i32
    %dma_wait3A_509 = arith.constant 0 : i32
    %dma_wait3A_510 = tpu.memref_slice %arg6[%dma_wait3A_499, %dma_wait3A_508, %dma_wait3A_509] : memref<4x256x64xf32, #tpu.memory_space<vmem>> -> memref<1x256x64xf32, #tpu.memory_space<vmem>>
    %dma_wait3A_511 = tpu.memref_squeeze %dma_wait3A_510 : memref<1x256x64xf32, #tpu.memory_space<vmem>> -> memref<256x64xf32, #tpu.memory_space<vmem>>
    tpu.wait_dma2 semaphore(%arg13 : memref<!tpu.dma_semaphore, #tpu.memory_space<semaphore_mem>>) src(%dma_wait3A_511 : memref<256x64xf32, #tpu.memory_space<vmem>>) dst(%dma_wait3A_507 : memref<256x64xf32, #tpu.memory_space<hbm>>)
    %dma_start3A_512 = arith.constant 196 : i32
    %dma_start3A_513 = arith.constant 2 : i32
    %dma_start3A_514 = arith.constant 0 : i32
    %dma_start3A_515 = arith.constant 0 : i32
    %dma_start3A_516 = tpu.memref_slice %arg6[%dma_start3A_513, %dma_start3A_514, %dma_start3A_515] : memref<4x256x64xf32, #tpu.memory_space<vmem>> -> memref<1x256x64xf32, #tpu.memory_space<vmem>>
    %dma_start3A_517 = tpu.memref_squeeze %dma_start3A_516 : memref<1x256x64xf32, #tpu.memory_space<vmem>> -> memref<256x64xf32, #tpu.memory_space<vmem>>
    %dma_start3A_518 = arith.constant 0 : i32
    %dma_start3A_519 = arith.constant 0 : i32
    %dma_start3A_520 = tpu.memref_slice %dma_start3A_517[%dma_start3A_518, %dma_start3A_519] : memref<256x64xf32, #tpu.memory_space<vmem>> -> memref<128x64xf32, #tpu.memory_space<vmem>>
    %dma_start3A_521 = arith.constant 0 : i32
    %dma_start3A_522 = tpu.memref_slice %arg5[%dma_start3A_512, %dma_start3A_521] : memref<200x128xi32, #tpu.memory_space<vmem>> -> memref<1x128xi32, #tpu.memory_space<vmem>>
    %dma_start3A_523 = tpu.memref_squeeze %dma_start3A_522 : memref<1x128xi32, #tpu.memory_space<vmem>> -> memref<128xi32, #tpu.memory_space<vmem>>
    %dma_start3A_524 = arith.constant 0 : i32
    %dma_start3A_525 = arith.constant 0 : i32
    %dma_start3A_526 = tpu.memref_slice %arg2[%dma_start3A_524, %dma_start3A_525] : memref<1000001x64xf32, #tpu.memory_space<hbm>> -> memref<1000001x64xf32, #tpu.memory_space<hbm>>
    tpu.enqueue_indirect_dma source(%dma_start3A_526 : memref<1000001x64xf32, #tpu.memory_space<hbm>>) target(%dma_start3A_520 : memref<128x64xf32, #tpu.memory_space<vmem>>) offsets(%dma_start3A_523 : memref<128xi32, #tpu.memory_space<vmem>>) semaphore(%arg9 : memref<!tpu.dma_semaphore, #tpu.memory_space<semaphore_mem>>)
    %dma_start3A_527 = arith.constant 197 : i32
    %dma_start3A_528 = arith.constant 2 : i32
    %dma_start3A_529 = arith.constant 0 : i32
    %dma_start3A_530 = arith.constant 0 : i32
    %dma_start3A_531 = tpu.memref_slice %arg6[%dma_start3A_528, %dma_start3A_529, %dma_start3A_530] : memref<4x256x64xf32, #tpu.memory_space<vmem>> -> memref<1x256x64xf32, #tpu.memory_space<vmem>>
    %dma_start3A_532 = tpu.memref_squeeze %dma_start3A_531 : memref<1x256x64xf32, #tpu.memory_space<vmem>> -> memref<256x64xf32, #tpu.memory_space<vmem>>
    %dma_start3A_533 = arith.constant 128 : i32
    %dma_start3A_534 = arith.constant 0 : i32
    %dma_start3A_535 = tpu.memref_slice %dma_start3A_532[%dma_start3A_533, %dma_start3A_534] : memref<256x64xf32, #tpu.memory_space<vmem>> -> memref<128x64xf32, #tpu.memory_space<vmem>>
    %dma_start3A_536 = arith.constant 0 : i32
    %dma_start3A_537 = tpu.memref_slice %arg5[%dma_start3A_527, %dma_start3A_536] : memref<200x128xi32, #tpu.memory_space<vmem>> -> memref<1x128xi32, #tpu.memory_space<vmem>>
    %dma_start3A_538 = tpu.memref_squeeze %dma_start3A_537 : memref<1x128xi32, #tpu.memory_space<vmem>> -> memref<128xi32, #tpu.memory_space<vmem>>
    %dma_start3A_539 = arith.constant 0 : i32
    %dma_start3A_540 = arith.constant 0 : i32
    %dma_start3A_541 = tpu.memref_slice %arg2[%dma_start3A_539, %dma_start3A_540] : memref<1000001x64xf32, #tpu.memory_space<hbm>> -> memref<1000001x64xf32, #tpu.memory_space<hbm>>
    tpu.enqueue_indirect_dma source(%dma_start3A_541 : memref<1000001x64xf32, #tpu.memory_space<hbm>>) target(%dma_start3A_535 : memref<128x64xf32, #tpu.memory_space<vmem>>) offsets(%dma_start3A_538 : memref<128xi32, #tpu.memory_space<vmem>>) semaphore(%arg9 : memref<!tpu.dma_semaphore, #tpu.memory_space<semaphore_mem>>)
    %dma_wait3A_542 = arith.constant 1 : i32
    %dma_wait3A_543 = arith.constant 0 : i32
    %dma_wait3A_544 = arith.constant 0 : i32
    %dma_wait3A_545 = tpu.memref_slice %arg6[%dma_wait3A_542, %dma_wait3A_543, %dma_wait3A_544] : memref<4x256x64xf32, #tpu.memory_space<vmem>> -> memref<1x256x64xf32, #tpu.memory_space<vmem>>
    %dma_wait3A_546 = tpu.memref_squeeze %dma_wait3A_545 : memref<1x256x64xf32, #tpu.memory_space<vmem>> -> memref<256x64xf32, #tpu.memory_space<vmem>>
    %dma_wait3A_547 = arith.constant 0 : i32
    %dma_wait3A_548 = arith.constant 0 : i32
    %dma_wait3A_549 = tpu.memref_slice %dma_wait3A_546[%dma_wait3A_547, %dma_wait3A_548] : memref<256x64xf32, #tpu.memory_space<vmem>> -> memref<128x64xf32, #tpu.memory_space<vmem>>
    %dma_wait3A_550 = arith.constant 0 : i32
    %dma_wait3A_551 = arith.constant 0 : i32
    %dma_wait3A_552 = tpu.memref_slice %arg2[%dma_wait3A_550, %dma_wait3A_551] : memref<1000001x64xf32, #tpu.memory_space<hbm>> -> memref<128x64xf32, #tpu.memory_space<hbm>>
    %dma_wait3A_553 = arith.constant 0 : i32
    %dma_wait3A_554 = arith.constant 0 : i32
    %dma_wait3A_555 = tpu.memref_slice %arg6[%dma_wait3A_542, %dma_wait3A_553, %dma_wait3A_554] : memref<4x256x64xf32, #tpu.memory_space<vmem>> -> memref<1x256x64xf32, #tpu.memory_space<vmem>>
    %dma_wait3A_556 = tpu.memref_squeeze %dma_wait3A_555 : memref<1x256x64xf32, #tpu.memory_space<vmem>> -> memref<256x64xf32, #tpu.memory_space<vmem>>
    %dma_wait3A_557 = arith.constant 0 : i32
    %dma_wait3A_558 = arith.constant 0 : i32
    %dma_wait3A_559 = tpu.memref_slice %dma_wait3A_556[%dma_wait3A_557, %dma_wait3A_558] : memref<256x64xf32, #tpu.memory_space<vmem>> -> memref<128x64xf32, #tpu.memory_space<vmem>>
    %dma_wait3A_560 = arith.constant 0 : i32
    %dma_wait3A_561 = arith.constant 0 : i32
    %dma_wait3A_562 = tpu.memref_slice %arg2[%dma_wait3A_560, %dma_wait3A_561] : memref<1000001x64xf32, #tpu.memory_space<hbm>> -> memref<128x64xf32, #tpu.memory_space<hbm>>
    tpu.wait_dma2 semaphore(%arg8 : memref<!tpu.dma_semaphore, #tpu.memory_space<semaphore_mem>>) src(%dma_wait3A_562 : memref<128x64xf32, #tpu.memory_space<hbm>>) dst(%dma_wait3A_559 : memref<128x64xf32, #tpu.memory_space<vmem>>)
    %dma_wait3A_563 = arith.constant 1 : i32
    %dma_wait3A_564 = arith.constant 0 : i32
    %dma_wait3A_565 = arith.constant 0 : i32
    %dma_wait3A_566 = tpu.memref_slice %arg6[%dma_wait3A_563, %dma_wait3A_564, %dma_wait3A_565] : memref<4x256x64xf32, #tpu.memory_space<vmem>> -> memref<1x256x64xf32, #tpu.memory_space<vmem>>
    %dma_wait3A_567 = tpu.memref_squeeze %dma_wait3A_566 : memref<1x256x64xf32, #tpu.memory_space<vmem>> -> memref<256x64xf32, #tpu.memory_space<vmem>>
    %dma_wait3A_568 = arith.constant 128 : i32
    %dma_wait3A_569 = arith.constant 0 : i32
    %dma_wait3A_570 = tpu.memref_slice %dma_wait3A_567[%dma_wait3A_568, %dma_wait3A_569] : memref<256x64xf32, #tpu.memory_space<vmem>> -> memref<128x64xf32, #tpu.memory_space<vmem>>
    %dma_wait3A_571 = arith.constant 0 : i32
    %dma_wait3A_572 = arith.constant 0 : i32
    %dma_wait3A_573 = tpu.memref_slice %arg2[%dma_wait3A_571, %dma_wait3A_572] : memref<1000001x64xf32, #tpu.memory_space<hbm>> -> memref<128x64xf32, #tpu.memory_space<hbm>>
    %dma_wait3A_574 = arith.constant 0 : i32
    %dma_wait3A_575 = arith.constant 0 : i32
    %dma_wait3A_576 = tpu.memref_slice %arg6[%dma_wait3A_563, %dma_wait3A_574, %dma_wait3A_575] : memref<4x256x64xf32, #tpu.memory_space<vmem>> -> memref<1x256x64xf32, #tpu.memory_space<vmem>>
    %dma_wait3A_577 = tpu.memref_squeeze %dma_wait3A_576 : memref<1x256x64xf32, #tpu.memory_space<vmem>> -> memref<256x64xf32, #tpu.memory_space<vmem>>
    %dma_wait3A_578 = arith.constant 128 : i32
    %dma_wait3A_579 = arith.constant 0 : i32
    %dma_wait3A_580 = tpu.memref_slice %dma_wait3A_577[%dma_wait3A_578, %dma_wait3A_579] : memref<256x64xf32, #tpu.memory_space<vmem>> -> memref<128x64xf32, #tpu.memory_space<vmem>>
    %dma_wait3A_581 = arith.constant 0 : i32
    %dma_wait3A_582 = arith.constant 0 : i32
    %dma_wait3A_583 = tpu.memref_slice %arg2[%dma_wait3A_581, %dma_wait3A_582] : memref<1000001x64xf32, #tpu.memory_space<hbm>> -> memref<128x64xf32, #tpu.memory_space<hbm>>
    tpu.wait_dma2 semaphore(%arg8 : memref<!tpu.dma_semaphore, #tpu.memory_space<semaphore_mem>>) src(%dma_wait3A_583 : memref<128x64xf32, #tpu.memory_space<hbm>>) dst(%dma_wait3A_580 : memref<128x64xf32, #tpu.memory_space<vmem>>)
    %add3A_584 = arith.constant 24832 : i32
    %add3A_585 = arith.addi %mul3A_4, %add3A_584 : i32
    %dma_start3A_586 = arith.constant 1 : i32
    %dma_start3A_587 = arith.constant 0 : i32
    %dma_start3A_588 = arith.constant 0 : i32
    %dma_start3A_589 = tpu.memref_slice %arg6[%dma_start3A_586, %dma_start3A_587, %dma_start3A_588] : memref<4x256x64xf32, #tpu.memory_space<vmem>> -> memref<1x256x64xf32, #tpu.memory_space<vmem>>
    %dma_start3A_590 = tpu.memref_squeeze %dma_start3A_589 : memref<1x256x64xf32, #tpu.memory_space<vmem>> -> memref<256x64xf32, #tpu.memory_space<vmem>>
    %dma_start3A_591 = arith.constant 0 : i32
    %dma_start3A_592 = tpu.memref_slice %arg4[%add3A_585, %dma_start3A_591] : memref<819200x64xf32, #tpu.memory_space<hbm>> -> memref<256x64xf32, #tpu.memory_space<hbm>>
    %dma_start3A_593 = arith.constant 0 : i32
    %dma_start3A_594 = tpu.memref_slice %arg4[%add3A_585, %dma_start3A_593] : memref<819200x64xf32, #tpu.memory_space<hbm>> -> memref<256x64xf32, #tpu.memory_space<hbm>>
    %dma_start3A_595 = arith.constant 0 : i32
    %dma_start3A_596 = arith.constant 0 : i32
    %dma_start3A_597 = tpu.memref_slice %arg6[%dma_start3A_586, %dma_start3A_595, %dma_start3A_596] : memref<4x256x64xf32, #tpu.memory_space<vmem>> -> memref<1x256x64xf32, #tpu.memory_space<vmem>>
    %dma_start3A_598 = tpu.memref_squeeze %dma_start3A_597 : memref<1x256x64xf32, #tpu.memory_space<vmem>> -> memref<256x64xf32, #tpu.memory_space<vmem>>
    tpu.enqueue_dma source(%dma_start3A_598 : memref<256x64xf32, #tpu.memory_space<vmem>>) target(%dma_start3A_594 : memref<256x64xf32, #tpu.memory_space<hbm>>) target_semaphore(%arg12 : memref<!tpu.dma_semaphore, #tpu.memory_space<semaphore_mem>>)
    %dma_wait3A_599 = arith.constant 3 : i32
    %dma_wait3A_600 = arith.constant 0 : i32
    %dma_wait3A_601 = arith.constant 0 : i32
    %dma_wait3A_602 = tpu.memref_slice %arg6[%dma_wait3A_599, %dma_wait3A_600, %dma_wait3A_601] : memref<4x256x64xf32, #tpu.memory_space<vmem>> -> memref<1x256x64xf32, #tpu.memory_space<vmem>>
    %dma_wait3A_603 = tpu.memref_squeeze %dma_wait3A_602 : memref<1x256x64xf32, #tpu.memory_space<vmem>> -> memref<256x64xf32, #tpu.memory_space<vmem>>
    %dma_wait3A_604 = arith.constant 0 : i32
    %dma_wait3A_605 = tpu.memref_slice %arg4[%mul3A_4, %dma_wait3A_604] : memref<819200x64xf32, #tpu.memory_space<hbm>> -> memref<256x64xf32, #tpu.memory_space<hbm>>
    %dma_wait3A_606 = arith.constant 0 : i32
    %dma_wait3A_607 = tpu.memref_slice %arg4[%mul3A_4, %dma_wait3A_606] : memref<819200x64xf32, #tpu.memory_space<hbm>> -> memref<256x64xf32, #tpu.memory_space<hbm>>
    %dma_wait3A_608 = arith.constant 0 : i32
    %dma_wait3A_609 = arith.constant 0 : i32
    %dma_wait3A_610 = tpu.memref_slice %arg6[%dma_wait3A_599, %dma_wait3A_608, %dma_wait3A_609] : memref<4x256x64xf32, #tpu.memory_space<vmem>> -> memref<1x256x64xf32, #tpu.memory_space<vmem>>
    %dma_wait3A_611 = tpu.memref_squeeze %dma_wait3A_610 : memref<1x256x64xf32, #tpu.memory_space<vmem>> -> memref<256x64xf32, #tpu.memory_space<vmem>>
    tpu.wait_dma2 semaphore(%arg14 : memref<!tpu.dma_semaphore, #tpu.memory_space<semaphore_mem>>) src(%dma_wait3A_611 : memref<256x64xf32, #tpu.memory_space<vmem>>) dst(%dma_wait3A_607 : memref<256x64xf32, #tpu.memory_space<hbm>>)
    %dma_start3A_612 = arith.constant 198 : i32
    %dma_start3A_613 = arith.constant 3 : i32
    %dma_start3A_614 = arith.constant 0 : i32
    %dma_start3A_615 = arith.constant 0 : i32
    %dma_start3A_616 = tpu.memref_slice %arg6[%dma_start3A_613, %dma_start3A_614, %dma_start3A_615] : memref<4x256x64xf32, #tpu.memory_space<vmem>> -> memref<1x256x64xf32, #tpu.memory_space<vmem>>
    %dma_start3A_617 = tpu.memref_squeeze %dma_start3A_616 : memref<1x256x64xf32, #tpu.memory_space<vmem>> -> memref<256x64xf32, #tpu.memory_space<vmem>>
    %dma_start3A_618 = arith.constant 0 : i32
    %dma_start3A_619 = arith.constant 0 : i32
    %dma_start3A_620 = tpu.memref_slice %dma_start3A_617[%dma_start3A_618, %dma_start3A_619] : memref<256x64xf32, #tpu.memory_space<vmem>> -> memref<128x64xf32, #tpu.memory_space<vmem>>
    %dma_start3A_621 = arith.constant 0 : i32
    %dma_start3A_622 = tpu.memref_slice %arg5[%dma_start3A_612, %dma_start3A_621] : memref<200x128xi32, #tpu.memory_space<vmem>> -> memref<1x128xi32, #tpu.memory_space<vmem>>
    %dma_start3A_623 = tpu.memref_squeeze %dma_start3A_622 : memref<1x128xi32, #tpu.memory_space<vmem>> -> memref<128xi32, #tpu.memory_space<vmem>>
    %dma_start3A_624 = arith.constant 0 : i32
    %dma_start3A_625 = arith.constant 0 : i32
    %dma_start3A_626 = tpu.memref_slice %arg2[%dma_start3A_624, %dma_start3A_625] : memref<1000001x64xf32, #tpu.memory_space<hbm>> -> memref<1000001x64xf32, #tpu.memory_space<hbm>>
    tpu.enqueue_indirect_dma source(%dma_start3A_626 : memref<1000001x64xf32, #tpu.memory_space<hbm>>) target(%dma_start3A_620 : memref<128x64xf32, #tpu.memory_space<vmem>>) offsets(%dma_start3A_623 : memref<128xi32, #tpu.memory_space<vmem>>) semaphore(%arg10 : memref<!tpu.dma_semaphore, #tpu.memory_space<semaphore_mem>>)
    %dma_start3A_627 = arith.constant 199 : i32
    %dma_start3A_628 = arith.constant 3 : i32
    %dma_start3A_629 = arith.constant 0 : i32
    %dma_start3A_630 = arith.constant 0 : i32
    %dma_start3A_631 = tpu.memref_slice %arg6[%dma_start3A_628, %dma_start3A_629, %dma_start3A_630] : memref<4x256x64xf32, #tpu.memory_space<vmem>> -> memref<1x256x64xf32, #tpu.memory_space<vmem>>
    %dma_start3A_632 = tpu.memref_squeeze %dma_start3A_631 : memref<1x256x64xf32, #tpu.memory_space<vmem>> -> memref<256x64xf32, #tpu.memory_space<vmem>>
    %dma_start3A_633 = arith.constant 128 : i32
    %dma_start3A_634 = arith.constant 0 : i32
    %dma_start3A_635 = tpu.memref_slice %dma_start3A_632[%dma_start3A_633, %dma_start3A_634] : memref<256x64xf32, #tpu.memory_space<vmem>> -> memref<128x64xf32, #tpu.memory_space<vmem>>
    %dma_start3A_636 = arith.constant 0 : i32
    %dma_start3A_637 = tpu.memref_slice %arg5[%dma_start3A_627, %dma_start3A_636] : memref<200x128xi32, #tpu.memory_space<vmem>> -> memref<1x128xi32, #tpu.memory_space<vmem>>
    %dma_start3A_638 = tpu.memref_squeeze %dma_start3A_637 : memref<1x128xi32, #tpu.memory_space<vmem>> -> memref<128xi32, #tpu.memory_space<vmem>>
    %dma_start3A_639 = arith.constant 0 : i32
    %dma_start3A_640 = arith.constant 0 : i32
    %dma_start3A_641 = tpu.memref_slice %arg2[%dma_start3A_639, %dma_start3A_640] : memref<1000001x64xf32, #tpu.memory_space<hbm>> -> memref<1000001x64xf32, #tpu.memory_space<hbm>>
    tpu.enqueue_indirect_dma source(%dma_start3A_641 : memref<1000001x64xf32, #tpu.memory_space<hbm>>) target(%dma_start3A_635 : memref<128x64xf32, #tpu.memory_space<vmem>>) offsets(%dma_start3A_638 : memref<128xi32, #tpu.memory_space<vmem>>) semaphore(%arg10 : memref<!tpu.dma_semaphore, #tpu.memory_space<semaphore_mem>>)
    %dma_wait3A_642 = arith.constant 2 : i32
    %dma_wait3A_643 = arith.constant 0 : i32
    %dma_wait3A_644 = arith.constant 0 : i32
    %dma_wait3A_645 = tpu.memref_slice %arg6[%dma_wait3A_642, %dma_wait3A_643, %dma_wait3A_644] : memref<4x256x64xf32, #tpu.memory_space<vmem>> -> memref<1x256x64xf32, #tpu.memory_space<vmem>>
    %dma_wait3A_646 = tpu.memref_squeeze %dma_wait3A_645 : memref<1x256x64xf32, #tpu.memory_space<vmem>> -> memref<256x64xf32, #tpu.memory_space<vmem>>
    %dma_wait3A_647 = arith.constant 0 : i32
    %dma_wait3A_648 = arith.constant 0 : i32
    %dma_wait3A_649 = tpu.memref_slice %dma_wait3A_646[%dma_wait3A_647, %dma_wait3A_648] : memref<256x64xf32, #tpu.memory_space<vmem>> -> memref<128x64xf32, #tpu.memory_space<vmem>>
    %dma_wait3A_650 = arith.constant 0 : i32
    %dma_wait3A_651 = arith.constant 0 : i32
    %dma_wait3A_652 = tpu.memref_slice %arg2[%dma_wait3A_650, %dma_wait3A_651] : memref<1000001x64xf32, #tpu.memory_space<hbm>> -> memref<128x64xf32, #tpu.memory_space<hbm>>
    %dma_wait3A_653 = arith.constant 0 : i32
    %dma_wait3A_654 = arith.constant 0 : i32
    %dma_wait3A_655 = tpu.memref_slice %arg6[%dma_wait3A_642, %dma_wait3A_653, %dma_wait3A_654] : memref<4x256x64xf32, #tpu.memory_space<vmem>> -> memref<1x256x64xf32, #tpu.memory_space<vmem>>
    %dma_wait3A_656 = tpu.memref_squeeze %dma_wait3A_655 : memref<1x256x64xf32, #tpu.memory_space<vmem>> -> memref<256x64xf32, #tpu.memory_space<vmem>>
    %dma_wait3A_657 = arith.constant 0 : i32
    %dma_wait3A_658 = arith.constant 0 : i32
    %dma_wait3A_659 = tpu.memref_slice %dma_wait3A_656[%dma_wait3A_657, %dma_wait3A_658] : memref<256x64xf32, #tpu.memory_space<vmem>> -> memref<128x64xf32, #tpu.memory_space<vmem>>
    %dma_wait3A_660 = arith.constant 0 : i32
    %dma_wait3A_661 = arith.constant 0 : i32
    %dma_wait3A_662 = tpu.memref_slice %arg2[%dma_wait3A_660, %dma_wait3A_661] : memref<1000001x64xf32, #tpu.memory_space<hbm>> -> memref<128x64xf32, #tpu.memory_space<hbm>>
    tpu.wait_dma2 semaphore(%arg9 : memref<!tpu.dma_semaphore, #tpu.memory_space<semaphore_mem>>) src(%dma_wait3A_662 : memref<128x64xf32, #tpu.memory_space<hbm>>) dst(%dma_wait3A_659 : memref<128x64xf32, #tpu.memory_space<vmem>>)
    %dma_wait3A_663 = arith.constant 2 : i32
    %dma_wait3A_664 = arith.constant 0 : i32
    %dma_wait3A_665 = arith.constant 0 : i32
    %dma_wait3A_666 = tpu.memref_slice %arg6[%dma_wait3A_663, %dma_wait3A_664, %dma_wait3A_665] : memref<4x256x64xf32, #tpu.memory_space<vmem>> -> memref<1x256x64xf32, #tpu.memory_space<vmem>>
    %dma_wait3A_667 = tpu.memref_squeeze %dma_wait3A_666 : memref<1x256x64xf32, #tpu.memory_space<vmem>> -> memref<256x64xf32, #tpu.memory_space<vmem>>
    %dma_wait3A_668 = arith.constant 128 : i32
    %dma_wait3A_669 = arith.constant 0 : i32
    %dma_wait3A_670 = tpu.memref_slice %dma_wait3A_667[%dma_wait3A_668, %dma_wait3A_669] : memref<256x64xf32, #tpu.memory_space<vmem>> -> memref<128x64xf32, #tpu.memory_space<vmem>>
    %dma_wait3A_671 = arith.constant 0 : i32
    %dma_wait3A_672 = arith.constant 0 : i32
    %dma_wait3A_673 = tpu.memref_slice %arg2[%dma_wait3A_671, %dma_wait3A_672] : memref<1000001x64xf32, #tpu.memory_space<hbm>> -> memref<128x64xf32, #tpu.memory_space<hbm>>
    %dma_wait3A_674 = arith.constant 0 : i32
    %dma_wait3A_675 = arith.constant 0 : i32
    %dma_wait3A_676 = tpu.memref_slice %arg6[%dma_wait3A_663, %dma_wait3A_674, %dma_wait3A_675] : memref<4x256x64xf32, #tpu.memory_space<vmem>> -> memref<1x256x64xf32, #tpu.memory_space<vmem>>
    %dma_wait3A_677 = tpu.memref_squeeze %dma_wait3A_676 : memref<1x256x64xf32, #tpu.memory_space<vmem>> -> memref<256x64xf32, #tpu.memory_space<vmem>>
    %dma_wait3A_678 = arith.constant 128 : i32
    %dma_wait3A_679 = arith.constant 0 : i32
    %dma_wait3A_680 = tpu.memref_slice %dma_wait3A_677[%dma_wait3A_678, %dma_wait3A_679] : memref<256x64xf32, #tpu.memory_space<vmem>> -> memref<128x64xf32, #tpu.memory_space<vmem>>
    %dma_wait3A_681 = arith.constant 0 : i32
    %dma_wait3A_682 = arith.constant 0 : i32
    %dma_wait3A_683 = tpu.memref_slice %arg2[%dma_wait3A_681, %dma_wait3A_682] : memref<1000001x64xf32, #tpu.memory_space<hbm>> -> memref<128x64xf32, #tpu.memory_space<hbm>>
    tpu.wait_dma2 semaphore(%arg9 : memref<!tpu.dma_semaphore, #tpu.memory_space<semaphore_mem>>) src(%dma_wait3A_683 : memref<128x64xf32, #tpu.memory_space<hbm>>) dst(%dma_wait3A_680 : memref<128x64xf32, #tpu.memory_space<vmem>>)
    %add3A_684 = arith.constant 25088 : i32
    %add3A_685 = arith.addi %mul3A_4, %add3A_684 : i32
    %dma_start3A_686 = arith.constant 2 : i32
    %dma_start3A_687 = arith.constant 0 : i32
    %dma_start3A_688 = arith.constant 0 : i32
    %dma_start3A_689 = tpu.memref_slice %arg6[%dma_start3A_686, %dma_start3A_687, %dma_start3A_688] : memref<4x256x64xf32, #tpu.memory_space<vmem>> -> memref<1x256x64xf32, #tpu.memory_space<vmem>>
    %dma_start3A_690 = tpu.memref_squeeze %dma_start3A_689 : memref<1x256x64xf32, #tpu.memory_space<vmem>> -> memref<256x64xf32, #tpu.memory_space<vmem>>
    %dma_start3A_691 = arith.constant 0 : i32
    %dma_start3A_692 = tpu.memref_slice %arg4[%add3A_685, %dma_start3A_691] : memref<819200x64xf32, #tpu.memory_space<hbm>> -> memref<256x64xf32, #tpu.memory_space<hbm>>
    %dma_start3A_693 = arith.constant 0 : i32
    %dma_start3A_694 = tpu.memref_slice %arg4[%add3A_685, %dma_start3A_693] : memref<819200x64xf32, #tpu.memory_space<hbm>> -> memref<256x64xf32, #tpu.memory_space<hbm>>
    %dma_start3A_695 = arith.constant 0 : i32
    %dma_start3A_696 = arith.constant 0 : i32
    %dma_start3A_697 = tpu.memref_slice %arg6[%dma_start3A_686, %dma_start3A_695, %dma_start3A_696] : memref<4x256x64xf32, #tpu.memory_space<vmem>> -> memref<1x256x64xf32, #tpu.memory_space<vmem>>
    %dma_start3A_698 = tpu.memref_squeeze %dma_start3A_697 : memref<1x256x64xf32, #tpu.memory_space<vmem>> -> memref<256x64xf32, #tpu.memory_space<vmem>>
    tpu.enqueue_dma source(%dma_start3A_698 : memref<256x64xf32, #tpu.memory_space<vmem>>) target(%dma_start3A_694 : memref<256x64xf32, #tpu.memory_space<hbm>>) target_semaphore(%arg13 : memref<!tpu.dma_semaphore, #tpu.memory_space<semaphore_mem>>)
    %dma_wait3A_699 = arith.constant 3 : i32
    %dma_wait3A_700 = arith.constant 0 : i32
    %dma_wait3A_701 = arith.constant 0 : i32
    %dma_wait3A_702 = tpu.memref_slice %arg6[%dma_wait3A_699, %dma_wait3A_700, %dma_wait3A_701] : memref<4x256x64xf32, #tpu.memory_space<vmem>> -> memref<1x256x64xf32, #tpu.memory_space<vmem>>
    %dma_wait3A_703 = tpu.memref_squeeze %dma_wait3A_702 : memref<1x256x64xf32, #tpu.memory_space<vmem>> -> memref<256x64xf32, #tpu.memory_space<vmem>>
    %dma_wait3A_704 = arith.constant 0 : i32
    %dma_wait3A_705 = arith.constant 0 : i32
    %dma_wait3A_706 = tpu.memref_slice %dma_wait3A_703[%dma_wait3A_704, %dma_wait3A_705] : memref<256x64xf32, #tpu.memory_space<vmem>> -> memref<128x64xf32, #tpu.memory_space<vmem>>
    %dma_wait3A_707 = arith.constant 0 : i32
    %dma_wait3A_708 = arith.constant 0 : i32
    %dma_wait3A_709 = tpu.memref_slice %arg2[%dma_wait3A_707, %dma_wait3A_708] : memref<1000001x64xf32, #tpu.memory_space<hbm>> -> memref<128x64xf32, #tpu.memory_space<hbm>>
    %dma_wait3A_710 = arith.constant 0 : i32
    %dma_wait3A_711 = arith.constant 0 : i32
    %dma_wait3A_712 = tpu.memref_slice %arg6[%dma_wait3A_699, %dma_wait3A_710, %dma_wait3A_711] : memref<4x256x64xf32, #tpu.memory_space<vmem>> -> memref<1x256x64xf32, #tpu.memory_space<vmem>>
    %dma_wait3A_713 = tpu.memref_squeeze %dma_wait3A_712 : memref<1x256x64xf32, #tpu.memory_space<vmem>> -> memref<256x64xf32, #tpu.memory_space<vmem>>
    %dma_wait3A_714 = arith.constant 0 : i32
    %dma_wait3A_715 = arith.constant 0 : i32
    %dma_wait3A_716 = tpu.memref_slice %dma_wait3A_713[%dma_wait3A_714, %dma_wait3A_715] : memref<256x64xf32, #tpu.memory_space<vmem>> -> memref<128x64xf32, #tpu.memory_space<vmem>>
    %dma_wait3A_717 = arith.constant 0 : i32
    %dma_wait3A_718 = arith.constant 0 : i32
    %dma_wait3A_719 = tpu.memref_slice %arg2[%dma_wait3A_717, %dma_wait3A_718] : memref<1000001x64xf32, #tpu.memory_space<hbm>> -> memref<128x64xf32, #tpu.memory_space<hbm>>
    tpu.wait_dma2 semaphore(%arg10 : memref<!tpu.dma_semaphore, #tpu.memory_space<semaphore_mem>>) src(%dma_wait3A_719 : memref<128x64xf32, #tpu.memory_space<hbm>>) dst(%dma_wait3A_716 : memref<128x64xf32, #tpu.memory_space<vmem>>)
    %dma_wait3A_720 = arith.constant 3 : i32
    %dma_wait3A_721 = arith.constant 0 : i32
    %dma_wait3A_722 = arith.constant 0 : i32
    %dma_wait3A_723 = tpu.memref_slice %arg6[%dma_wait3A_720, %dma_wait3A_721, %dma_wait3A_722] : memref<4x256x64xf32, #tpu.memory_space<vmem>> -> memref<1x256x64xf32, #tpu.memory_space<vmem>>
    %dma_wait3A_724 = tpu.memref_squeeze %dma_wait3A_723 : memref<1x256x64xf32, #tpu.memory_space<vmem>> -> memref<256x64xf32, #tpu.memory_space<vmem>>
    %dma_wait3A_725 = arith.constant 128 : i32
    %dma_wait3A_726 = arith.constant 0 : i32
    %dma_wait3A_727 = tpu.memref_slice %dma_wait3A_724[%dma_wait3A_725, %dma_wait3A_726] : memref<256x64xf32, #tpu.memory_space<vmem>> -> memref<128x64xf32, #tpu.memory_space<vmem>>
    %dma_wait3A_728 = arith.constant 0 : i32
    %dma_wait3A_729 = arith.constant 0 : i32
    %dma_wait3A_730 = tpu.memref_slice %arg2[%dma_wait3A_728, %dma_wait3A_729] : memref<1000001x64xf32, #tpu.memory_space<hbm>> -> memref<128x64xf32, #tpu.memory_space<hbm>>
    %dma_wait3A_731 = arith.constant 0 : i32
    %dma_wait3A_732 = arith.constant 0 : i32
    %dma_wait3A_733 = tpu.memref_slice %arg6[%dma_wait3A_720, %dma_wait3A_731, %dma_wait3A_732] : memref<4x256x64xf32, #tpu.memory_space<vmem>> -> memref<1x256x64xf32, #tpu.memory_space<vmem>>
    %dma_wait3A_734 = tpu.memref_squeeze %dma_wait3A_733 : memref<1x256x64xf32, #tpu.memory_space<vmem>> -> memref<256x64xf32, #tpu.memory_space<vmem>>
    %dma_wait3A_735 = arith.constant 128 : i32
    %dma_wait3A_736 = arith.constant 0 : i32
    %dma_wait3A_737 = tpu.memref_slice %dma_wait3A_734[%dma_wait3A_735, %dma_wait3A_736] : memref<256x64xf32, #tpu.memory_space<vmem>> -> memref<128x64xf32, #tpu.memory_space<vmem>>
    %dma_wait3A_738 = arith.constant 0 : i32
    %dma_wait3A_739 = arith.constant 0 : i32
    %dma_wait3A_740 = tpu.memref_slice %arg2[%dma_wait3A_738, %dma_wait3A_739] : memref<1000001x64xf32, #tpu.memory_space<hbm>> -> memref<128x64xf32, #tpu.memory_space<hbm>>
    tpu.wait_dma2 semaphore(%arg10 : memref<!tpu.dma_semaphore, #tpu.memory_space<semaphore_mem>>) src(%dma_wait3A_740 : memref<128x64xf32, #tpu.memory_space<hbm>>) dst(%dma_wait3A_737 : memref<128x64xf32, #tpu.memory_space<vmem>>)
    %add3A_741 = arith.constant 25344 : i32
    %add3A_742 = arith.addi %mul3A_4, %add3A_741 : i32
    %dma_start3A_743 = arith.constant 3 : i32
    %dma_start3A_744 = arith.constant 0 : i32
    %dma_start3A_745 = arith.constant 0 : i32
    %dma_start3A_746 = tpu.memref_slice %arg6[%dma_start3A_743, %dma_start3A_744, %dma_start3A_745] : memref<4x256x64xf32, #tpu.memory_space<vmem>> -> memref<1x256x64xf32, #tpu.memory_space<vmem>>
    %dma_start3A_747 = tpu.memref_squeeze %dma_start3A_746 : memref<1x256x64xf32, #tpu.memory_space<vmem>> -> memref<256x64xf32, #tpu.memory_space<vmem>>
    %dma_start3A_748 = arith.constant 0 : i32
    %dma_start3A_749 = tpu.memref_slice %arg4[%add3A_742, %dma_start3A_748] : memref<819200x64xf32, #tpu.memory_space<hbm>> -> memref<256x64xf32, #tpu.memory_space<hbm>>
    %dma_start3A_750 = arith.constant 0 : i32
    %dma_start3A_751 = tpu.memref_slice %arg4[%add3A_742, %dma_start3A_750] : memref<819200x64xf32, #tpu.memory_space<hbm>> -> memref<256x64xf32, #tpu.memory_space<hbm>>
    %dma_start3A_752 = arith.constant 0 : i32
    %dma_start3A_753 = arith.constant 0 : i32
    %dma_start3A_754 = tpu.memref_slice %arg6[%dma_start3A_743, %dma_start3A_752, %dma_start3A_753] : memref<4x256x64xf32, #tpu.memory_space<vmem>> -> memref<1x256x64xf32, #tpu.memory_space<vmem>>
    %dma_start3A_755 = tpu.memref_squeeze %dma_start3A_754 : memref<1x256x64xf32, #tpu.memory_space<vmem>> -> memref<256x64xf32, #tpu.memory_space<vmem>>
    tpu.enqueue_dma source(%dma_start3A_755 : memref<256x64xf32, #tpu.memory_space<vmem>>) target(%dma_start3A_751 : memref<256x64xf32, #tpu.memory_space<hbm>>) target_semaphore(%arg14 : memref<!tpu.dma_semaphore, #tpu.memory_space<semaphore_mem>>)
    %dma_wait3A_756 = arith.constant 0 : i32
    %dma_wait3A_757 = arith.constant 0 : i32
    %dma_wait3A_758 = arith.constant 0 : i32
    %dma_wait3A_759 = tpu.memref_slice %arg6[%dma_wait3A_756, %dma_wait3A_757, %dma_wait3A_758] : memref<4x256x64xf32, #tpu.memory_space<vmem>> -> memref<1x256x64xf32, #tpu.memory_space<vmem>>
    %dma_wait3A_760 = tpu.memref_squeeze %dma_wait3A_759 : memref<1x256x64xf32, #tpu.memory_space<vmem>> -> memref<256x64xf32, #tpu.memory_space<vmem>>
    %dma_wait3A_761 = arith.constant 0 : i32
    %dma_wait3A_762 = tpu.memref_slice %arg4[%mul3A_4, %dma_wait3A_761] : memref<819200x64xf32, #tpu.memory_space<hbm>> -> memref<256x64xf32, #tpu.memory_space<hbm>>
    %dma_wait3A_763 = arith.constant 0 : i32
    %dma_wait3A_764 = tpu.memref_slice %arg4[%mul3A_4, %dma_wait3A_763] : memref<819200x64xf32, #tpu.memory_space<hbm>> -> memref<256x64xf32, #tpu.memory_space<hbm>>
    %dma_wait3A_765 = arith.constant 0 : i32
    %dma_wait3A_766 = arith.constant 0 : i32
    %dma_wait3A_767 = tpu.memref_slice %arg6[%dma_wait3A_756, %dma_wait3A_765, %dma_wait3A_766] : memref<4x256x64xf32, #tpu.memory_space<vmem>> -> memref<1x256x64xf32, #tpu.memory_space<vmem>>
    %dma_wait3A_768 = tpu.memref_squeeze %dma_wait3A_767 : memref<1x256x64xf32, #tpu.memory_space<vmem>> -> memref<256x64xf32, #tpu.memory_space<vmem>>
    tpu.wait_dma2 semaphore(%arg11 : memref<!tpu.dma_semaphore, #tpu.memory_space<semaphore_mem>>) src(%dma_wait3A_768 : memref<256x64xf32, #tpu.memory_space<vmem>>) dst(%dma_wait3A_764 : memref<256x64xf32, #tpu.memory_space<hbm>>)
    %dma_wait3A_769 = arith.constant 1 : i32
    %dma_wait3A_770 = arith.constant 0 : i32
    %dma_wait3A_771 = arith.constant 0 : i32
    %dma_wait3A_772 = tpu.memref_slice %arg6[%dma_wait3A_769, %dma_wait3A_770, %dma_wait3A_771] : memref<4x256x64xf32, #tpu.memory_space<vmem>> -> memref<1x256x64xf32, #tpu.memory_space<vmem>>
    %dma_wait3A_773 = tpu.memref_squeeze %dma_wait3A_772 : memref<1x256x64xf32, #tpu.memory_space<vmem>> -> memref<256x64xf32, #tpu.memory_space<vmem>>
    %dma_wait3A_774 = arith.constant 0 : i32
    %dma_wait3A_775 = tpu.memref_slice %arg4[%mul3A_4, %dma_wait3A_774] : memref<819200x64xf32, #tpu.memory_space<hbm>> -> memref<256x64xf32, #tpu.memory_space<hbm>>
    %dma_wait3A_776 = arith.constant 0 : i32
    %dma_wait3A_777 = tpu.memref_slice %arg4[%mul3A_4, %dma_wait3A_776] : memref<819200x64xf32, #tpu.memory_space<hbm>> -> memref<256x64xf32, #tpu.memory_space<hbm>>
    %dma_wait3A_778 = arith.constant 0 : i32
    %dma_wait3A_779 = arith.constant 0 : i32
    %dma_wait3A_780 = tpu.memref_slice %arg6[%dma_wait3A_769, %dma_wait3A_778, %dma_wait3A_779] : memref<4x256x64xf32, #tpu.memory_space<vmem>> -> memref<1x256x64xf32, #tpu.memory_space<vmem>>
    %dma_wait3A_781 = tpu.memref_squeeze %dma_wait3A_780 : memref<1x256x64xf32, #tpu.memory_space<vmem>> -> memref<256x64xf32, #tpu.memory_space<vmem>>
    tpu.wait_dma2 semaphore(%arg12 : memref<!tpu.dma_semaphore, #tpu.memory_space<semaphore_mem>>) src(%dma_wait3A_781 : memref<256x64xf32, #tpu.memory_space<vmem>>) dst(%dma_wait3A_777 : memref<256x64xf32, #tpu.memory_space<hbm>>)
    %dma_wait3A_782 = arith.constant 2 : i32
    %dma_wait3A_783 = arith.constant 0 : i32
    %dma_wait3A_784 = arith.constant 0 : i32
    %dma_wait3A_785 = tpu.memref_slice %arg6[%dma_wait3A_782, %dma_wait3A_783, %dma_wait3A_784] : memref<4x256x64xf32, #tpu.memory_space<vmem>> -> memref<1x256x64xf32, #tpu.memory_space<vmem>>
    %dma_wait3A_786 = tpu.memref_squeeze %dma_wait3A_785 : memref<1x256x64xf32, #tpu.memory_space<vmem>> -> memref<256x64xf32, #tpu.memory_space<vmem>>
    %dma_wait3A_787 = arith.constant 0 : i32
    %dma_wait3A_788 = tpu.memref_slice %arg4[%mul3A_4, %dma_wait3A_787] : memref<819200x64xf32, #tpu.memory_space<hbm>> -> memref<256x64xf32, #tpu.memory_space<hbm>>
    %dma_wait3A_789 = arith.constant 0 : i32
    %dma_wait3A_790 = tpu.memref_slice %arg4[%mul3A_4, %dma_wait3A_789] : memref<819200x64xf32, #tpu.memory_space<hbm>> -> memref<256x64xf32, #tpu.memory_space<hbm>>
    %dma_wait3A_791 = arith.constant 0 : i32
    %dma_wait3A_792 = arith.constant 0 : i32
    %dma_wait3A_793 = tpu.memref_slice %arg6[%dma_wait3A_782, %dma_wait3A_791, %dma_wait3A_792] : memref<4x256x64xf32, #tpu.memory_space<vmem>> -> memref<1x256x64xf32, #tpu.memory_space<vmem>>
    %dma_wait3A_794 = tpu.memref_squeeze %dma_wait3A_793 : memref<1x256x64xf32, #tpu.memory_space<vmem>> -> memref<256x64xf32, #tpu.memory_space<vmem>>
    tpu.wait_dma2 semaphore(%arg13 : memref<!tpu.dma_semaphore, #tpu.memory_space<semaphore_mem>>) src(%dma_wait3A_794 : memref<256x64xf32, #tpu.memory_space<vmem>>) dst(%dma_wait3A_790 : memref<256x64xf32, #tpu.memory_space<hbm>>)
    %dma_wait3A_795 = arith.constant 3 : i32
    %dma_wait3A_796 = arith.constant 0 : i32
    %dma_wait3A_797 = arith.constant 0 : i32
    %dma_wait3A_798 = tpu.memref_slice %arg6[%dma_wait3A_795, %dma_wait3A_796, %dma_wait3A_797] : memref<4x256x64xf32, #tpu.memory_space<vmem>> -> memref<1x256x64xf32, #tpu.memory_space<vmem>>
    %dma_wait3A_799 = tpu.memref_squeeze %dma_wait3A_798 : memref<1x256x64xf32, #tpu.memory_space<vmem>> -> memref<256x64xf32, #tpu.memory_space<vmem>>
    %dma_wait3A_800 = arith.constant 0 : i32
    %dma_wait3A_801 = tpu.memref_slice %arg4[%mul3A_4, %dma_wait3A_800] : memref<819200x64xf32, #tpu.memory_space<hbm>> -> memref<256x64xf32, #tpu.memory_space<hbm>>
    %dma_wait3A_802 = arith.constant 0 : i32
    %dma_wait3A_803 = tpu.memref_slice %arg4[%mul3A_4, %dma_wait3A_802] : memref<819200x64xf32, #tpu.memory_space<hbm>> -> memref<256x64xf32, #tpu.memory_space<hbm>>
    %dma_wait3A_804 = arith.constant 0 : i32
    %dma_wait3A_805 = arith.constant 0 : i32
    %dma_wait3A_806 = tpu.memref_slice %arg6[%dma_wait3A_795, %dma_wait3A_804, %dma_wait3A_805] : memref<4x256x64xf32, #tpu.memory_space<vmem>> -> memref<1x256x64xf32, #tpu.memory_space<vmem>>
    %dma_wait3A_807 = tpu.memref_squeeze %dma_wait3A_806 : memref<1x256x64xf32, #tpu.memory_space<vmem>> -> memref<256x64xf32, #tpu.memory_space<vmem>>
    tpu.wait_dma2 semaphore(%arg14 : memref<!tpu.dma_semaphore, #tpu.memory_space<semaphore_mem>>) src(%dma_wait3A_807 : memref<256x64xf32, #tpu.memory_space<vmem>>) dst(%dma_wait3A_803 : memref<256x64xf32, #tpu.memory_space<hbm>>)
    return
  }
}

</mosaic_0001>

<sc_bundles>
// kernel: kernel.3.cloned.1.call-start
scs
__scs_entry_jumppad:
0x0: {  	(pc) =	sbr.rel $0x88, $3  }
0x1: {  	(tag) =	ssettag $0x0;
	lr =	simm.s32 $0x1  }
0x2: {  	[smem:$0x3F9F] =	sst lr;
	_ =	strace $0xD0000000  }
0x3: {  	_ = 	snop  }
0x4: {  	_ = 	snop  }
0x5: {  	_ = 	snop  }
0x6: {  	_ = 	snop  }
0x7: {  	_ = 	snop  }
__scs_overlays_trampoline_lowered:
0x8: {  	[smem:$0x3FAE] =	sst s0  }
0x9: {  	[smem:$0x3FAF] =	sst s1  }
0xa: {  	[smem:$0x3FB0] =	sst s2  }
0xb: {  	[smem:$0x3FB1] =	sst s3  }
0xc: {  	[smem:$0x3FB2] =	sst s4  }
0xd: {  	[smem:$0x3FB3] =	sst s5  }
0xe: {  	[smem:$0x3FB4] =	sst s6  }
0xf: {  	[smem:$0x3FB5] =	sst s7  }
0x10: {  	[smem:$0x3FB6] =	sst s8  }
0x11: {  	[smem:$0x3FB7] =	sst s9;
	s0 =	simm.s32 @!p0 $0x0  }
0x12: {  	s1 =	sld [smem:$0x3F9D];
	s0 =	simm.s32 @p0 $0x1  }
0x13: {  	[smem:$0x3FB8] =	sst s0;
	s0 =	simm.s32 @!p1 $0x0  }
0x14: {  	s2 =	sld [smem:$0x3F9C];
	s0 =	simm.s32 @p1 $0x1  }
0x15: {  	[smem:$0x3FB9] =	sst s0;
	s0 =	simm.s32 @!p2 $0x0  }
0x16: {  	s3 =	sld [smem:$0x3FDB];
	s0 =	simm.s32 @p2 $0x1  }
0x17: {  	s4 =	simm.s32 $0x1BF5;
	[smem:$0x3FBB] =	sst s0  }
0x18: {  	s0 =	sld [smem:$0x3F9E];
	_ =	swait.ge [sflag:s4], $0x0  }
0x19: {  	s7 =	sld [smem:$0x3F9F]  }
0x1a: {  	s8 =	sadd.s32 $0xFFFFE003, lr  }
0x1b: {  	s9 =	sadd.s32 $0xFFFFFEF7, lr;
	s5 =	simm.s32 $0xFFFFFFFF;
	p2 =	slt.u32 s8, $0xFFFFF086  }
0x1c: {  	p1 =	slt.u32 s9, $0xF7A;
	s5 =	simm.s32 @!p2 $0x0  }
0x1d: {  	s5 =	simm.s32 @p1 $0x1;
	p0 =	seq.s32 s7, s2  }
0x1e: {  	s7 =	smul.u32 @!p0 $0xF7A, s2;
	p2 =	seq.s32 @!p0 s5, $0x0  }
0x1f: {  	s9 =	smul.u32 $0xF7A, s1;
	s8 =	simm.s32 @!p0 $0x1BF5;
	p2 =	por !p2, p0  }
0x20: {  	[sflag:s8] =	ssyncset.s32 @!p0 $0xFFFFF086;
	s6 =	sadd.s32 @!p0 s3, s7;
	s7 =	simm.s32 @!p0 $0x108  }
0x21: {  	s3 =	sadd.s32 s3, s9;
	s6 =	sadd.s32 @!p0 $0x88, s6;
	s7 =	simm.s32 @p2 $0x1082  }
0x22: {  	[simem:s7], [sflag:s8] =	dma.local @!p0 [hbm:s6], $0xF7A  }
0x23: {  	s9 =	sor.u32 $0xD0000000, s2;
	s6 =	simm.s32 $0x108;
	_ =	swait.ge @!p0 [sflag:s8], $0x0  }
0x24: {  	s3 =	sadd.s32 $0x88, s3;
	s6 =	simm.s32 @!p1 $0x1082;
	[sflag:s4] =	ssyncset.s32 $0xFFFFF086  }
0x25: {  	[simem:s6], [sflag:s4] =	dma.local [hbm:s3], $0xF7A  }
0x26: {  	[smem:$0x3F9F] =	sst s1;
	(tag) =	ssettag s2;
	_ =	strace s9  }
0x27: {  	s1 =	sld [smem:$0x3FAF]  }
0x28: {  	s2 =	sld [smem:$0x3FB0]  }
0x29: {  	s4 =	sld [smem:$0x3FB2]  }
0x2a: {  	p0 =	seq.s32 s5, $0x0;
	s5 =	sld [smem:$0x3FB3]  }
0x2b: {  	s6 =	sld [smem:$0x3FB4]  }
0x2c: {  	s7 =	sld [smem:$0x3FB5]  }
0x2d: {  	s3 =	simm.s32 $0x108;
	s8 =	sld [smem:$0x3FB6]  }
0x2e: {  	s3 =	simm.s32 @!p0 $0x1082;
	s9 =	sld [smem:$0x3FB7]  }
0x2f: {  	lr =	sadd.s32 s0, s3;
	s0 =	sld [smem:$0x3FAE]  }
0x30: {  	s3 =	sld [smem:$0x3FB1]  }
0x31: {  	[smem:$0x3FBA] =	sst s10  }
0x32: {  	s10 =	sld [smem:$0x3FB8];
	_ =	sdelay $0x3  }
0x33: {  	p0 =	seq.s32 s10, $0x1;
	s10 =	sld [smem:$0x3FBA];
	_ =	sdelay $0x3  }
0x34: {  	[smem:$0x3FBA] =	sst s10  }
0x35: {  	s10 =	sld [smem:$0x3FB9];
	_ =	sdelay $0x3  }
0x36: {  	p1 =	seq.s32 s10, $0x1;
	s10 =	sld [smem:$0x3FBA];
	_ =	sdelay $0x3  }
0x37: {  	[smem:$0x3FBA] =	sst s10  }
0x38: {  	s10 =	sld [smem:$0x3FBB]  }
0x39: {  	_ = 	snop;
	(pc) =	sbr.ind lr, $3  }
0x3a: {  	_ = 	snop  }
0x3b: {  	_ = 	snop  }
0x3c: {  	p2 =	seq.s32 s10, $0x1;
	s10 =	sld [smem:$0x3FBA]  }
0x3d: {  	_ =	shalt  }
0x3e: {  	_ =	shalt  }
0x3f: {  	_ =	shalt  }
0x40: {  	_ =	shalt  }
0x41: {  	_ =	shalt  }
0x42: {  	_ =	shalt  }
0x43: {  	_ =	shalt  }
0x44: {  	_ =	shalt  }
0x45: {  	_ =	shalt  }
0x46: {  	_ =	shalt  }
0x47: {  	_ =	shalt  }
0x48: {  	_ =	shalt  }
0x49: {  	_ =	shalt  }
0x4a: {  	_ =	shalt  }
0x4b: {  	_ =	shalt  }
0x4c: {  	_ =	shalt  }
0x4d: {  	_ =	shalt  }
0x4e: {  	_ =	shalt  }
0x4f: {  	_ =	shalt  }
0x50: {  	_ =	shalt  }
0x51: {  	_ =	shalt  }
0x52: {  	_ =	shalt  }
0x53: {  	_ =	shalt  }
0x54: {  	_ =	shalt  }
0x55: {  	_ =	shalt  }
0x56: {  	_ =	shalt  }
0x57: {  	_ =	shalt  }
0x58: {  	_ =	shalt  }
0x59: {  	_ =	shalt  }
0x5a: {  	_ =	shalt  }
0x5b: {  	_ =	shalt  }
0x5c: {  	_ =	shalt  }
0x5d: {  	_ =	shalt  }
0x5e: {  	_ =	shalt  }
0x5f: {  	_ =	shalt  }
0x60: {  	_ =	shalt  }
0x61: {  	_ =	shalt  }
0x62: {  	_ =	shalt  }
0x63: {  	_ =	shalt  }
0x64: {  	_ =	shalt  }
0x65: {  	_ =	shalt  }
0x66: {  	_ =	shalt  }
0x67: {  	_ =	shalt  }
0x68: {  	_ =	shalt  }
0x69: {  	_ =	shalt  }
0x6a: {  	_ =	shalt  }
0x6b: {  	_ =	shalt  }
0x6c: {  	_ =	shalt  }
0x6d: {  	_ =	shalt  }
0x6e: {  	_ =	shalt  }
0x6f: {  	_ =	shalt  }
0x70: {  	_ =	shalt  }
0x71: {  	_ =	shalt  }
0x72: {  	_ =	shalt  }
0x73: {  	_ =	shalt  }
0x74: {  	_ =	shalt  }
0x75: {  	_ =	shalt  }
0x76: {  	_ =	shalt  }
0x77: {  	_ =	shalt  }
0x78: {  	_ =	shalt  }
0x79: {  	_ =	shalt  }
0x7a: {  	_ =	shalt  }
0x7b: {  	_ =	shalt  }
0x7c: {  	_ =	shalt  }
0x7d: {  	_ =	shalt  }
0x7e: {  	_ =	shalt  }
0x7f: {  	_ =	shalt  }
0x80: {  	_ =	shalt  }
0x81: {  	_ =	shalt  }
0x82: {  	_ =	shalt  }
0x83: {  	_ =	shalt  }
0x84: {  	_ =	shalt  }
0x85: {  	_ =	shalt  }
0x86: {  	_ =	shalt  }
0x87: {  	_ =	shalt  }
.Lfunc_end0:
.L_simem_size_0:
called_computation.1_lowered:
.L_overlay_start_0:
0x88: {  	s2 =	sld [smem:$0x3FD9]  }
0x89: {  	s3 =	sld [smem:$0x3FFE];
	_ =	sdelay $0x1  }
0x8a: {  	s1 =	srdreg.scid  }
0x8b: {  	s0 =	sand.u32 $0x1, s1  }
0x8c: {  	s17 =	sshll.u32 s0, $0xA;
	s2 =	sadd.s32 s3, s2  }
0x8d: {  	s2 =	sadd.s32 s2, s17  }
0x8e: {  	[smem:$0x3FC6] =	sst s2  }
0x8f: {  	_ = 	snop  }
0x90: {  	s2 =	sld [smem:$0x3FD0];
	(tm) =	ssettm $0x1  }
0x91: {  	s18 =	sld [smem:$0x3FFB];
	_ =	sdelay $0x3  }
0x92: {  	_ =	strace s18  }
0x93: {  	s3 =	sld [smem:$0x3FFC];
	_ =	sdelay $0x3  }
0x94: {  	_ =	strace s3  }
0x95: {  	s3 =	sld [smem:$0x3FFD];
	_ =	sdelay $0x3  }
0x96: {  	_ =	strace s3  }
0x97: {  	_ =	strace $0x8FFFFFFF  }
0x98: {  	s19 =	sld [smem:$0x3FDB];
	_ =	sdelay $0x1  }
0x99: {  	s4 =	simm.s32 $_scs_section_size  }
0x9a: {  	s5 =	simm.s32 $_size__tile_overlayer_lowered;
	s6 =	simm.s32 $_tile_overlayer_lowered  }
0x9b: {  	s22 =	simm.s32 $0x1BFF;
	s21 =	sshll.u32 s6, $0x1;
	s3 =	sadd.s32 s4, s19  }
0x9c: {  	s7 =	simm.s32 $0x0;
	s20 =	sshll.u32 s5, $0x1;
	s5 =	sadd.s32 s21, s3  }
0x9d: {  	[timem:s7], [sflag:s22] =	dma.local [hbm:s5], s20  }
0x9e: {  	_ =	swait.ge [sflag:s22], s20  }
0x9f: {  	s4 =	ssub.s32 $0x0, s20;
	[sflag:s22] =	ssyncset.done $0x0  }
0xa0: {  	[sflag:s22] =	ssyncadd.s32 s4;
	_ =	sdelay $0x1  }
0xa1: {  	s23 =	simm.s32 $0x1B8B  }
0xa2: {  	_ =	swait.ge [sflag:s23], $0x1  }
0xa3: {  	[sflag:s23] =	ssyncset.done $0x0  }
0xa4: {  	s25 =	simm.s32 $0x1B8E;
	s24 =	sld [smem:$0x3FFE];
	[sflag:s23] =	ssyncadd.s32 $0xFFFFFFFF  }
0xa5: {  	s26 =	simm.s32 $execute0_lowered;
	[smem:$0x3FD2] =	sst s25  }
0xa6: {  	s5 =	sshll.u32 s26, $0x1;
	_ =	strace $0x80000046;
	[dreg:$0x1] =	wrdreg $0xFFFFFFFF  }
0xa7: {  	s28 =	simm.s32 $_size_execute0_lowered;
	s3 =	sadd.s32 s3, s5;
	[dreg:$0x0] =	wrdreg $0x0  }
0xa8: {  	s5 =	sshll.u32 s28, $0x1;
	[dreg:$0x2] =	wrdreg s3  }
0xa9: {  	[dreg:$0x3] =	wrdreg s5  }
0xaa: {  	[dreg:$0x4] =	wrdreg $0xC0  }
0xab: {  	_ =	task [dreg:s7], $0x5FFFF  }
0xac: {  	[dreg:$0x1] =	wrdreg $0xFFFFFFFF  }
0xad: {  	[dreg:$0x0] =	wrdreg $0x60  }
0xae: {  	[dreg:$0x2] =	wrdreg s24  }
0xaf: {  	[dreg:$0x3] =	wrdreg s2  }
0xb0: {  	[dreg:$0x4] =	wrdreg $0x9  }
0xb1: {  	_ =	task.clear_ibuf [dreg:s7], $0x5FFFF;
	_ =	strace $0x90000046  }
0xb2: {  	s29 =	simm.s32 $0x9;
	_ =	strace $0x80000048  }
0xb3: {  	_ =	swait.ge [sflag:s29], $0x1  }
0xb4: {  	[sflag:s29] =	ssyncadd.s32 $0xFFFFFFFF  }
0xb5: {  	_ =	strace $0x90000048  }
0xb6: {  	_ =	sfence  }
0xb7: {  	s30 =	sld [smem:$0x0];
	_ =	sdelay $0x2  }
0xb8: {  	s31 =	sshll.u32 s1, $0xD;
	s1 =	sshrl.u32 s1, $0x2  }
0xb9: {  	s3 =	sand.u32 $0x4000, s31;
	s1 =	sadd.s32 s1, s30  }
0xba: {  	s0 =	sor.u32 s3, s0;
	s1 =	sshll.u32 s1, $0x11  }
0xbb: {  	s0 =	sor.u32 s1, s0  }
0xbc: {  	s0 =	sadd.s32 $0x8F2B, s0  }
0xbd: {  	[sflag:s0] =	ssyncadd.remote.s32 $0x1  }
0xbe: {  	_ =	sfence.sel $0xFFFF  }
0xbf: {  	[dreg:$0x0] =	wrdreg $0xFFFFFFFF;
	(pc) =	sbr.abs _section_cstart, $3  }
0xc0: {  	[dreg:$0x1] =	wrdreg $0xFFFFFFFF  }
0xc1: {  	_ =	task.clear_ibuf [dreg:s7], $0x2FFFF;
	_ =	strace $0x9FFFFFFF  }
0xc2: {  	(tm) =	ssettm $0x7FFFFFFF  }
0xc3: {  	_ =	shalt  }
tec
execute0_lowered:
.L_overlay_start_1:
0x0: {  	(tag) =	ssettag $0x1  }
0x1: {  	s0 =	rddreg [dreg:$0x0];
	s1 =	srdreg.scid  }
0x2: {  	s10 =	stileid.u32;
	s2 =	rddreg [dreg:$0x1]  }
0x3: {  	s3 =	simm.s32 $0x0;
	s28 =	simm.s32 $0x1;
	s30 =	simm.s32 $0xE400  }
0x4: {  	s1 =	sand.u32 $0x1, s1;
	s4 =	sshll.u32 s10, $0x1;
	s17 =	smul.u32 $0x320000, s10  }
0x5: {  	s4 =	sor.u32 s1, s4;
	s6 =	ssub.s32 $0x2, s1;
	s1 =	smul.u32 $0x190000, s1  }
0x6: {  	s31 =	simm.s32 $0x14400;
	s29 =	simm.s32 $0x5;
	s5 =	smul.u32 $0xC80, s4  }
0x7: {  	[smem:$0x7FF] =	sst s3;
	s10 =	simm.s32 $0x0;
	s7 =	smul.u32 $0x32000, s4  }
0x8: {  	_ =	strace $0x80000047;
	s8 =	sshrl.u32 s6, $0x1;
	s9 =	smul.u32 $0x190000, s4  }
0x9: {  	s4 =	sadd.s32 $0xF43000, s0;
	s15 =	ssub.s32 s6, s8;
	s1 =	sadd.s32 s1, s17  }
0xa: {  	s8 =	simm.s32 $0x7;
	s5 =	sadd.s32 s5, s0;
	s7 =	sadd.s32 s2, s7  }
0xb: {  	s16 =	sshrl.u32 s9, $0x3;
	s0 =	smax.u32 s15, $0x1;
	s23 =	sadd.s32 $0x10000, s1  }
0xc: {  	s24 =	sadd.s32 $0x1C000, s1;
	s25 =	sadd.s32 $0x18000, s1;
	[dreg:$0x4] =	wrdreg s7  }
0xd: {  	s1 =	sadd.s32 $0x14000, s1;
	s9 =	simm.s32 $0x8;
	[dreg:$0xc] =	wrdreg s0  }
0xe: {  	s5 =	sadd.s32 $0xA00, s5;
	s18 =	sadd.s32 $0x800, s7;
	[dreg:$0xd] =	wrdreg s23  }
0xf: {  	s19 =	sadd.s32 $0x1000, s7;
	s7 =	sadd.s32 $0x1800, s7;
	[dreg:$0x3] =	wrdreg s5  }
0x10: {  	s0 =	sshrl.u32 s24, $0x3;
	s1 =	sshrl.u32 s1, $0x3;
	[dreg:$0x5] =	wrdreg s18  }
0x11: {  	s24 =	simm.s32 $0xA400;
	s5 =	sadd.s32 s2, s16;
	[dreg:$0x6] =	wrdreg s19  }
0x12: {  	s23 =	simm.s32 $0x3;
	[dreg:$0x7] =	wrdreg s7;
	s20 =	sadd.s32 $0x30000, s5  }
0x13: {  	s19 =	sadd.s32 s0, s2;
	s21 =	sadd.s32 $0x30800, s5;
	[dreg:$0x8] =	wrdreg s20  }
0x14: {  	s18 =	sadd.s32 s1, s2;
	s22 =	sadd.s32 $0x31000, s5;
	[dreg:$0x9] =	wrdreg s21  }
0x15: {  	s1 =	simm.s32 $0x10400;
	s5 =	sadd.s32 $0x31800, s5;
	[dreg:$0xa] =	wrdreg s22  }
0x16: {  	s0 =	simm.s32 $0x2;
	s7 =	simm.s32 $0x6;
	[dreg:$0xb] =	wrdreg s5  }
0x17: {  	s5 =	sshrl.u32 s25, $0x3;
	s20 =	simm.s32 $0x80;
	s21 =	simm.s32 $0x6400  }
0x18: {  	s22 =	simm.s32 $0x8400;
	s25 =	simm.s32 $0x12400;
	s26 =	sadd.s32 s5, s2  }
0x19: {  	s5 =	simm.s32 $0x4;
	[dreg:$0xe] =	wrdreg s26;
	s26 =	simm.s32 $0xC400  }
.LBB2_1:
0x1a: {  	s6 =	rddreg [dreg:$0x3];
	s16 =	simm.s32 $0x9  }
0x1b: {  	[tilespmem:s3], [sflag:$0x9] =	stream.linear.gather [hbm4b:s6+s3], $0x6400, $0x38;
	[tilespmem:$0x16400] =	vst v63  }
0x1c: {  	_ =	swait.ge [sflag:s16], $0x6400  }
0x1d: {  	[sflag:s16] =	ssyncset.done $0x0  }
0x1e: {  	[sflag:s16] =	ssyncadd.s32 $0xFFFF9C00  }
0x1f: {  	[tilespmem:s21], [sflag:$0x1] =	stream.indirect.gather [hbm4b:s4+s20], $0x40, s3, s20, $0xb8;
	[tilespmem:$0x16400] =	vst v63  }
0x20: {  	_ = 	snop  }
0x21: {  	[tilespmem:s22], [sflag:$0x1] =	stream.indirect.gather [hbm4b:s4+s20], $0x40, s20, s20, $0xb8;
	[tilespmem:$0x16400] =	vst v63  }
0x22: {  	s17 =	simm.s32 $0x100  }
0x23: {  	[tilespmem:s24], [sflag:$0x2] =	stream.indirect.gather [hbm4b:s4+s20], $0x40, s17, s20, $0xb8;
	[tilespmem:$0x16400] =	vst v63  }
0x24: {  	s11 =	simm.s32 $0x180  }
0x25: {  	[tilespmem:s26], [sflag:$0x2] =	stream.indirect.gather [hbm4b:s4+s20], $0x40, s11, s20, $0xb8;
	[tilespmem:$0x16400] =	vst v63  }
0x26: {  	_ =	swait.ge [sflag:s28], $0x2000  }
0x27: {  	[sflag:s28] =	ssyncset.done $0x0  }
0x28: {  	[sflag:s28] =	ssyncadd.s32 $0xFFFFE000  }
0x29: {  	_ =	swait.ge [sflag:s28], $0x2000  }
0x2a: {  	[sflag:s28] =	ssyncset.done $0x0  }
0x2b: {  	s12 =	rddreg [dreg:$0x4];
	[sflag:s28] =	ssyncadd.s32 $0xFFFFE000  }
0x2c: {  	[hbm4b:s12+s3] =	stream.linear.scatter [tilespmem:s21], [sflag:$0x5], $0x4000, $0x38;
	[tilespmem:$0x16400] =	vst v63  }
0x2d: {  	s13 =	simm.s32 $0x200  }
0x2e: {  	[tilespmem:s30], [sflag:$0x3] =	stream.indirect.gather [hbm4b:s4+s20], $0x40, s13, s20, $0xb8;
	[tilespmem:$0x16400] =	vst v63  }
0x2f: {  	s14 =	simm.s32 $0x280  }
0x30: {  	[tilespmem:s1], [sflag:$0x3] =	stream.indirect.gather [hbm4b:s4+s20], $0x40, s14, s20, $0xb8;
	[tilespmem:$0x16400] =	vst v63  }
0x31: {  	_ =	swait.ge [sflag:s0], $0x2000  }
0x32: {  	[sflag:s0] =	ssyncset.done $0x0  }
0x33: {  	[sflag:s0] =	ssyncadd.s32 $0xFFFFE000  }
0x34: {  	_ =	swait.ge [sflag:s0], $0x2000  }
0x35: {  	[sflag:s0] =	ssyncset.done $0x0  }
0x36: {  	s15 =	rddreg [dreg:$0x5];
	[sflag:s0] =	ssyncadd.s32 $0xFFFFE000  }
0x37: {  	[hbm4b:s15+s3] =	stream.linear.scatter [tilespmem:s24], [sflag:$0x6], $0x4000, $0x38;
	[tilespmem:$0x16400] =	vst v63  }
0x38: {  	s16 =	simm.s32 $0x300  }
0x39: {  	[tilespmem:s25], [sflag:$0x4] =	stream.indirect.gather [hbm4b:s4+s20], $0x40, s16, s20, $0xb8;
	[tilespmem:$0x16400] =	vst v63  }
0x3a: {  	s17 =	simm.s32 $0x380  }
0x3b: {  	[tilespmem:s31], [sflag:$0x4] =	stream.indirect.gather [hbm4b:s4+s20], $0x40, s17, s20, $0xb8;
	[tilespmem:$0x16400] =	vst v63  }
0x3c: {  	_ =	swait.ge [sflag:s23], $0x2000  }
0x3d: {  	[sflag:s23] =	ssyncset.done $0x0  }
0x3e: {  	[sflag:s23] =	ssyncadd.s32 $0xFFFFE000  }
0x3f: {  	_ =	swait.ge [sflag:s23], $0x2000  }
0x40: {  	[sflag:s23] =	ssyncset.done $0x0  }
0x41: {  	s11 =	rddreg [dreg:$0x6];
	[sflag:s23] =	ssyncadd.s32 $0xFFFFE000  }
0x42: {  	[hbm4b:s11+s3] =	stream.linear.scatter [tilespmem:s30], [sflag:$0x7], $0x4000, $0x38;
	[tilespmem:$0x16400] =	vst v63  }
0x43: {  	_ =	swait.ge [sflag:s29], $0x4000  }
0x44: {  	[sflag:s29] =	ssyncset.done $0x0  }
0x45: {  	s12 =	simm.s32 $0x400;
	[sflag:s29] =	ssyncadd.s32 $0xFFFFC000  }
0x46: {  	[tilespmem:s21], [sflag:$0x1] =	stream.indirect.gather [hbm4b:s4+s20], $0x40, s12, s20, $0xb8;
	[tilespmem:$0x16400] =	vst v63  }
0x47: {  	s13 =	simm.s32 $0x480  }
0x48: {  	[tilespmem:s22], [sflag:$0x1] =	stream.indirect.gather [hbm4b:s4+s20], $0x40, s13, s20, $0xb8;
	[tilespmem:$0x16400] =	vst v63  }
0x49: {  	_ =	swait.ge [sflag:s5], $0x2000  }
0x4a: {  	[sflag:s5] =	ssyncset.done $0x0  }
0x4b: {  	[sflag:s5] =	ssyncadd.s32 $0xFFFFE000  }
0x4c: {  	_ =	swait.ge [sflag:s5], $0x2000  }
0x4d: {  	[sflag:s5] =	ssyncset.done $0x0  }
0x4e: {  	s14 =	rddreg [dreg:$0x7];
	[sflag:s5] =	ssyncadd.s32 $0xFFFFE000  }
0x4f: {  	[hbm4b:s14+s3] =	stream.linear.scatter [tilespmem:s25], [sflag:$0x8], $0x4000, $0x38;
	[tilespmem:$0x16400] =	vst v63  }
0x50: {  	_ =	swait.ge [sflag:s7], $0x4000  }
0x51: {  	[sflag:s7] =	ssyncset.done $0x0  }
0x52: {  	s15 =	simm.s32 $0x500;
	[sflag:s7] =	ssyncadd.s32 $0xFFFFC000  }
0x53: {  	[tilespmem:s24], [sflag:$0x2] =	stream.indirect.gather [hbm4b:s4+s20], $0x40, s15, s20, $0xb8;
	[tilespmem:$0x16400] =	vst v63  }
0x54: {  	s16 =	simm.s32 $0x580  }
0x55: {  	[tilespmem:s26], [sflag:$0x2] =	stream.indirect.gather [hbm4b:s4+s20], $0x40, s16, s20, $0xb8;
	[tilespmem:$0x16400] =	vst v63  }
0x56: {  	_ =	swait.ge [sflag:s28], $0x2000  }
0x57: {  	[sflag:s28] =	ssyncset.done $0x0  }
0x58: {  	[sflag:s28] =	ssyncadd.s32 $0xFFFFE000  }
0x59: {  	_ =	swait.ge [sflag:s28], $0x2000  }
0x5a: {  	s14 =	rddreg [dreg:$0xd]  }
0x5b: {  	[sflag:s28] =	ssyncset.done $0x0;
	s17 =	sshrl.u32 s14, $0x3  }
0x5c: {  	[sflag:s28] =	ssyncadd.s32 $0xFFFFE000;
	s6 =	sadd.s32 s2, s17  }
0x5d: {  	[hbm4b:s6+s3] =	stream.linear.scatter [tilespmem:s21], [sflag:$0x5], $0x4000, $0x38;
	[tilespmem:$0x16400] =	vst v63  }
0x5e: {  	_ =	swait.ge [sflag:s8], $0x4000  }
0x5f: {  	[sflag:s8] =	ssyncset.done $0x0  }
0x60: {  	s11 =	simm.s32 $0x600;
	[sflag:s8] =	ssyncadd.s32 $0xFFFFC000  }
0x61: {  	[tilespmem:s30], [sflag:$0x3] =	stream.indirect.gather [hbm4b:s4+s20], $0x40, s11, s20, $0xb8;
	[tilespmem:$0x16400] =	vst v63  }
0x62: {  	s12 =	simm.s32 $0x680  }
0x63: {  	[tilespmem:s1], [sflag:$0x3] =	stream.indirect.gather [hbm4b:s4+s20], $0x40, s12, s20, $0xb8;
	[tilespmem:$0x16400] =	vst v63  }
0x64: {  	_ =	swait.ge [sflag:s0], $0x2000  }
0x65: {  	[sflag:s0] =	ssyncset.done $0x0  }
0x66: {  	[sflag:s0] =	ssyncadd.s32 $0xFFFFE000  }
0x67: {  	_ =	swait.ge [sflag:s0], $0x2000  }
0x68: {  	[sflag:s0] =	ssyncset.done $0x0  }
0x69: {  	[sflag:s0] =	ssyncadd.s32 $0xFFFFE000  }
0x6a: {  	[hbm4b:s18+s3] =	stream.linear.scatter [tilespmem:s24], [sflag:$0x6], $0x4000, $0x38;
	[tilespmem:$0x16400] =	vst v63  }
0x6b: {  	_ =	swait.ge [sflag:s9], $0x4000  }
0x6c: {  	[sflag:s9] =	ssyncset.done $0x0  }
0x6d: {  	s13 =	simm.s32 $0x700;
	[sflag:s9] =	ssyncadd.s32 $0xFFFFC000  }
0x6e: {  	[tilespmem:s25], [sflag:$0x4] =	stream.indirect.gather [hbm4b:s4+s20], $0x40, s13, s20, $0xb8;
	[tilespmem:$0x16400] =	vst v63  }
0x6f: {  	s15 =	simm.s32 $0x780  }
0x70: {  	[tilespmem:s31], [sflag:$0x4] =	stream.indirect.gather [hbm4b:s4+s20], $0x40, s15, s20, $0xb8;
	[tilespmem:$0x16400] =	vst v63  }
0x71: {  	_ =	swait.ge [sflag:s23], $0x2000  }
0x72: {  	[sflag:s23] =	ssyncset.done $0x0  }
0x73: {  	[sflag:s23] =	ssyncadd.s32 $0xFFFFE000  }
0x74: {  	_ =	swait.ge [sflag:s23], $0x2000  }
0x75: {  	[sflag:s23] =	ssyncset.done $0x0  }
0x76: {  	s12 =	rddreg [dreg:$0xe];
	[sflag:s23] =	ssyncadd.s32 $0xFFFFE000  }
0x77: {  	[hbm4b:s12+s3] =	stream.linear.scatter [tilespmem:s30], [sflag:$0x7], $0x4000, $0x38;
	[tilespmem:$0x16400] =	vst v63  }
0x78: {  	_ =	swait.ge [sflag:s29], $0x4000  }
0x79: {  	[sflag:s29] =	ssyncset.done $0x0  }
0x7a: {  	s16 =	simm.s32 $0x800;
	[sflag:s29] =	ssyncadd.s32 $0xFFFFC000  }
0x7b: {  	[tilespmem:s21], [sflag:$0x1] =	stream.indirect.gather [hbm4b:s4+s20], $0x40, s16, s20, $0xb8;
	[tilespmem:$0x16400] =	vst v63  }
0x7c: {  	s17 =	simm.s32 $0x880  }
0x7d: {  	[tilespmem:s22], [sflag:$0x1] =	stream.indirect.gather [hbm4b:s4+s20], $0x40, s17, s20, $0xb8;
	[tilespmem:$0x16400] =	vst v63  }
0x7e: {  	_ =	swait.ge [sflag:s5], $0x2000  }
0x7f: {  	[sflag:s5] =	ssyncset.done $0x0  }
0x80: {  	[sflag:s5] =	ssyncadd.s32 $0xFFFFE000  }
0x81: {  	s14 =	sadd.s32 $0x10000, s14;
	s6 =	sadd.s32 $0x2000, s19;
	_ =	swait.ge [sflag:s5], $0x2000  }
0x82: {  	s11 =	simm.s32 $0x1000;
	s13 =	sadd.s32 $0x2000, s18;
	[sflag:s5] =	ssyncset.done $0x0  }
0x83: {  	s12 =	sadd.s32 $0x2000, s12;
	s16 =	smov.u32 s19;
	[sflag:s5] =	ssyncadd.s32 $0xFFFFE000  }
.LBB2_2:
0x84: {  	[hbm4b:s16+s3] =	stream.linear.scatter [tilespmem:s25], [sflag:$0x8], $0x4000, $0x38;
	[tilespmem:$0x16400] =	vst v63  }
0x85: {  	s15 =	smov.u32 s11;
	s16 =	smov.u32 s6  }
0x86: {  	p0 =	sne.s32 s11, $0x16000;
	s11 =	sadd.s32 $0x1000, s11;
	_ =	swait.ge [sflag:s7], $0x4000  }
0x87: {  	s15 =	sshra.s32 s15, $0x2;
	[sflag:s7] =	ssyncset.done $0x0  }
0x88: {  	s17 =	sadd.s32 $0x500, s15;
	[sflag:s7] =	ssyncadd.s32 $0xFFFFC000  }
0x89: {  	[tilespmem:s24], [sflag:$0x2] =	stream.indirect.gather [hbm4b:s4+s20], $0x40, s17, s20, $0xb8;
	[tilespmem:$0x16400] =	vst v63  }
0x8a: {  	s17 =	sadd.s32 $0x580, s15  }
0x8b: {  	[tilespmem:s26], [sflag:$0x2] =	stream.indirect.gather [hbm4b:s4+s20], $0x40, s17, s20, $0xb8;
	[tilespmem:$0x16400] =	vst v63  }
0x8c: {  	_ =	swait.ge [sflag:s28], $0x2000  }
0x8d: {  	[sflag:s28] =	ssyncset.done $0x0  }
0x8e: {  	[sflag:s28] =	ssyncadd.s32 $0xFFFFE000  }
0x8f: {  	_ =	swait.ge [sflag:s28], $0x2000  }
0x90: {  	s17 =	sshrl.u32 s14, $0x3;
	[sflag:s28] =	ssyncset.done $0x0  }
0x91: {  	s17 =	sadd.s32 s2, s17;
	[sflag:s28] =	ssyncadd.s32 $0xFFFFE000  }
0x92: {  	[hbm4b:s17+s3] =	stream.linear.scatter [tilespmem:s21], [sflag:$0x5], $0x4000, $0x38;
	[tilespmem:$0x16400] =	vst v63  }
0x93: {  	_ =	swait.ge [sflag:s8], $0x4000  }
0x94: {  	[sflag:s8] =	ssyncset.done $0x0  }
0x95: {  	s17 =	sadd.s32 $0x600, s15;
	[sflag:s8] =	ssyncadd.s32 $0xFFFFC000  }
0x96: {  	[tilespmem:s30], [sflag:$0x3] =	stream.indirect.gather [hbm4b:s4+s20], $0x40, s17, s20, $0xb8;
	[tilespmem:$0x16400] =	vst v63  }
0x97: {  	s17 =	sadd.s32 $0x680, s15  }
0x98: {  	[tilespmem:s1], [sflag:$0x3] =	stream.indirect.gather [hbm4b:s4+s20], $0x40, s17, s20, $0xb8;
	[tilespmem:$0x16400] =	vst v63  }
0x99: {  	_ =	swait.ge [sflag:s0], $0x2000  }
0x9a: {  	[sflag:s0] =	ssyncset.done $0x0  }
0x9b: {  	[sflag:s0] =	ssyncadd.s32 $0xFFFFE000  }
0x9c: {  	_ =	swait.ge [sflag:s0], $0x2000  }
0x9d: {  	[sflag:s0] =	ssyncset.done $0x0  }
0x9e: {  	[sflag:s0] =	ssyncadd.s32 $0xFFFFE000  }
0x9f: {  	[hbm4b:s13+s3] =	stream.linear.scatter [tilespmem:s24], [sflag:$0x6], $0x4000, $0x38;
	[tilespmem:$0x16400] =	vst v63  }
0xa0: {  	_ =	swait.ge [sflag:s9], $0x4000  }
0xa1: {  	[sflag:s9] =	ssyncset.done $0x0  }
0xa2: {  	s17 =	sadd.s32 $0x700, s15;
	[sflag:s9] =	ssyncadd.s32 $0xFFFFC000  }
0xa3: {  	[tilespmem:s25], [sflag:$0x4] =	stream.indirect.gather [hbm4b:s4+s20], $0x40, s17, s20, $0xb8;
	[tilespmem:$0x16400] =	vst v63  }
0xa4: {  	s17 =	sadd.s32 $0x780, s15  }
0xa5: {  	[tilespmem:s31], [sflag:$0x4] =	stream.indirect.gather [hbm4b:s4+s20], $0x40, s17, s20, $0xb8;
	[tilespmem:$0x16400] =	vst v63  }
0xa6: {  	_ =	swait.ge [sflag:s23], $0x2000  }
0xa7: {  	[sflag:s23] =	ssyncset.done $0x0  }
0xa8: {  	[sflag:s23] =	ssyncadd.s32 $0xFFFFE000  }
0xa9: {  	_ =	swait.ge [sflag:s23], $0x2000  }
0xaa: {  	[sflag:s23] =	ssyncset.done $0x0  }
0xab: {  	[sflag:s23] =	ssyncadd.s32 $0xFFFFE000  }
0xac: {  	[hbm4b:s12+s3] =	stream.linear.scatter [tilespmem:s30], [sflag:$0x7], $0x4000, $0x38;
	[tilespmem:$0x16400] =	vst v63  }
0xad: {  	_ =	swait.ge [sflag:s29], $0x4000  }
0xae: {  	[sflag:s29] =	ssyncset.done $0x0  }
0xaf: {  	s17 =	sadd.s32 $0x800, s15;
	[sflag:s29] =	ssyncadd.s32 $0xFFFFC000  }
0xb0: {  	[tilespmem:s21], [sflag:$0x1] =	stream.indirect.gather [hbm4b:s4+s20], $0x40, s17, s20, $0xb8;
	[tilespmem:$0x16400] =	vst v63  }
0xb1: {  	s15 =	sadd.s32 $0x880, s15  }
0xb2: {  	[tilespmem:s22], [sflag:$0x1] =	stream.indirect.gather [hbm4b:s4+s20], $0x40, s15, s20, $0xb8;
	[tilespmem:$0x16400] =	vst v63  }
0xb3: {  	_ =	swait.ge [sflag:s5], $0x2000  }
.Ltmp0:
0xb4: {  	[sflag:s5] =	ssyncset.done $0x0;
	(pc) =	sbr.rel @p0 .LBB2_2-.Ltmp0, $4  }
0xb5: {  	[sflag:s5] =	ssyncadd.s32 $0xFFFFE000  }
0xb6: {  	_ =	swait.ge [sflag:s5], $0x2000  }
0xb7: {  	s13 =	sadd.s32 $0x2000, s13;
	s12 =	sadd.s32 $0x2000, s12;
	[sflag:s5] =	ssyncset.done $0x0  }
0xb8: {  	s6 =	sadd.s32 $0x2000, s6;
	s14 =	sadd.s32 $0x10000, s14;
	[sflag:s5] =	ssyncadd.s32 $0xFFFFE000  }
0xb9: {  	[hbm4b:s16+s3] =	stream.linear.scatter [tilespmem:s25], [sflag:$0x8], $0x4000, $0x38;
	[tilespmem:$0x16400] =	vst v63  }
0xba: {  	_ =	swait.ge [sflag:s7], $0x4000  }
0xbb: {  	[sflag:s7] =	ssyncset.done $0x0  }
0xbc: {  	s6 =	simm.s32 $0x6100;
	[sflag:s7] =	ssyncadd.s32 $0xFFFFC000  }
0xbd: {  	[tilespmem:s24], [sflag:$0x2] =	stream.indirect.gather [hbm4b:s4+s20], $0x40, s6, s20, $0xb8;
	[tilespmem:$0x16400] =	vst v63  }
0xbe: {  	s15 =	simm.s32 $0x6180  }
0xbf: {  	[tilespmem:s26], [sflag:$0x2] =	stream.indirect.gather [hbm4b:s4+s20], $0x40, s15, s20, $0xb8;
	[tilespmem:$0x16400] =	vst v63  }
0xc0: {  	_ =	swait.ge [sflag:s28], $0x2000  }
0xc1: {  	[sflag:s28] =	ssyncset.done $0x0  }
0xc2: {  	[sflag:s28] =	ssyncadd.s32 $0xFFFFE000  }
0xc3: {  	_ =	swait.ge [sflag:s28], $0x2000  }
0xc4: {  	[sflag:s28] =	ssyncset.done $0x0  }
0xc5: {  	s16 =	rddreg [dreg:$0x8];
	[sflag:s28] =	ssyncadd.s32 $0xFFFFE000  }
0xc6: {  	[hbm4b:s16+s3] =	stream.linear.scatter [tilespmem:s21], [sflag:$0x5], $0x4000, $0x38;
	[tilespmem:$0x16400] =	vst v63  }
0xc7: {  	_ =	swait.ge [sflag:s8], $0x4000  }
0xc8: {  	[sflag:s8] =	ssyncset.done $0x0  }
0xc9: {  	s17 =	simm.s32 $0x6200;
	[sflag:s8] =	ssyncadd.s32 $0xFFFFC000  }
0xca: {  	[tilespmem:s30], [sflag:$0x3] =	stream.indirect.gather [hbm4b:s4+s20], $0x40, s17, s20, $0xb8;
	[tilespmem:$0x16400] =	vst v63  }
0xcb: {  	s11 =	simm.s32 $0x6280  }
0xcc: {  	[tilespmem:s1], [sflag:$0x3] =	stream.indirect.gather [hbm4b:s4+s20], $0x40, s11, s20, $0xb8;
	[tilespmem:$0x16400] =	vst v63  }
0xcd: {  	_ =	swait.ge [sflag:s0], $0x2000  }
0xce: {  	[sflag:s0] =	ssyncset.done $0x0  }
0xcf: {  	[sflag:s0] =	ssyncadd.s32 $0xFFFFE000  }
0xd0: {  	_ =	swait.ge [sflag:s0], $0x2000  }
0xd1: {  	[sflag:s0] =	ssyncset.done $0x0  }
0xd2: {  	s12 =	rddreg [dreg:$0x9];
	[sflag:s0] =	ssyncadd.s32 $0xFFFFE000  }
0xd3: {  	[hbm4b:s12+s3] =	stream.linear.scatter [tilespmem:s24], [sflag:$0x6], $0x4000, $0x38;
	[tilespmem:$0x16400] =	vst v63  }
0xd4: {  	_ =	swait.ge [sflag:s9], $0x4000  }
0xd5: {  	[sflag:s9] =	ssyncset.done $0x0  }
0xd6: {  	s13 =	simm.s32 $0x6300;
	[sflag:s9] =	ssyncadd.s32 $0xFFFFC000  }
0xd7: {  	[tilespmem:s25], [sflag:$0x4] =	stream.indirect.gather [hbm4b:s4+s20], $0x40, s13, s20, $0xb8;
	[tilespmem:$0x16400] =	vst v63  }
0xd8: {  	s14 =	simm.s32 $0x6380  }
0xd9: {  	[tilespmem:s31], [sflag:$0x4] =	stream.indirect.gather [hbm4b:s4+s20], $0x40, s14, s20, $0xb8;
	[tilespmem:$0x16400] =	vst v63  }
0xda: {  	_ =	swait.ge [sflag:s23], $0x2000  }
0xdb: {  	[sflag:s23] =	ssyncset.done $0x0  }
0xdc: {  	[sflag:s23] =	ssyncadd.s32 $0xFFFFE000  }
0xdd: {  	_ =	swait.ge [sflag:s23], $0x2000  }
0xde: {  	[sflag:s23] =	ssyncset.done $0x0  }
0xdf: {  	s15 =	rddreg [dreg:$0xa];
	[sflag:s23] =	ssyncadd.s32 $0xFFFFE000  }
0xe0: {  	[hbm4b:s15+s3] =	stream.linear.scatter [tilespmem:s30], [sflag:$0x7], $0x4000, $0x38;
	[tilespmem:$0x16400] =	vst v63  }
0xe1: {  	_ =	swait.ge [sflag:s5], $0x2000  }
0xe2: {  	[sflag:s5] =	ssyncset.done $0x0  }
0xe3: {  	[sflag:s5] =	ssyncadd.s32 $0xFFFFE000  }
0xe4: {  	_ =	swait.ge [sflag:s5], $0x2000  }
0xe5: {  	[sflag:s5] =	ssyncset.done $0x0  }
0xe6: {  	s16 =	rddreg [dreg:$0xb];
	[sflag:s5] =	ssyncadd.s32 $0xFFFFE000  }
0xe7: {  	[hbm4b:s16+s3] =	stream.linear.scatter [tilespmem:s25], [sflag:$0x8], $0x4000, $0x38;
	[tilespmem:$0x16400] =	vst v63  }
0xe8: {  	_ =	swait.ge [sflag:s29], $0x4000  }
0xe9: {  	[sflag:s29] =	ssyncset.done $0x0  }
0xea: {  	[sflag:s29] =	ssyncadd.s32 $0xFFFFC000  }
0xeb: {  	_ =	swait.ge [sflag:s7], $0x4000  }
0xec: {  	[sflag:s7] =	ssyncset.done $0x0  }
0xed: {  	[sflag:s7] =	ssyncadd.s32 $0xFFFFC000  }
0xee: {  	_ =	swait.ge [sflag:s8], $0x4000  }
0xef: {  	[sflag:s8] =	ssyncset.done $0x0  }
0xf0: {  	[sflag:s8] =	ssyncadd.s32 $0xFFFFC000  }
0xf1: {  	_ =	swait.ge [sflag:s9], $0x4000  }
0xf2: {  	s10 =	sadd.s32 $0x1, s10;
	s17 =	rddreg [dreg:$0xc]  }
0xf3: {  	p0 =	sne.s32 s10, s17  }
.Ltmp1:
0xf4: {  	_ = 	snop;
	(pc) =	sbr.rel @p0 .LBB2_1-.Ltmp1, $3  }
0xf5: {  	_ =	sdelay $0x1  }
0xf6: {  	[sflag:s9] =	ssyncset.done $0x0  }
0xf7: {  	[sflag:s9] =	ssyncadd.s32 $0xFFFFC000  }
0xf8: {  	_ =	sfence.sel $0x180000  }
0xf9: {  	[bflag:$0x0] =	sbarrier.arrive $0xFFFF  }
0xfa: {  	_ =	strace $0x90000047  }
0xfb: {  	s0 =	stileid.u32;
	[bflag:$0x2] =	sbarrier.arrive $0xFFFF  }
0xfc: {  	p0 =	sne.s32 s0, $0x0;
	s0 =	rddreg [dreg:$0x2]  }
0xfd: {  	s0 =	sadd.s32 @!p0 $0x100000, s0  }
0xfe: {  	[sflag:s0] =	ssyncadd.tile.s32 @!p0 $0x1;
	_ =	shalt  }
.Lfunc_end2:
_tile_overlayer_lowered:
.L_overlay_start_2:
0xff: {  	(tag) =	ssettag $0x2  }
0x100: {  	s0 =	rddreg [dreg:$0x0];
	s2 =	stileid.u32  }
0x101: {  	s1 =	rddreg [dreg:$0x1];
	p0 =	sne.s32 s2, $0x0  }
0x102: {  	s3 =	rddreg [dreg:$0x2];
	[bflag:$0x3] =	sbarrier.arrive $0xFFFF;
	s2 =	simm.s32 @!p0 $0x1C09  }
0x103: {  	[timem:s3], [sflag:s2] =	dma.local @!p0 [hbm:s0], s1  }
0x104: {  	s0 =	simm.s32 @!p0 $0x9  }
0x105: {  	_ =	swait.ge @!p0 [sflag:s0], s1  }
0x106: {  	s1 =	ssub.s32 @!p0 $0x0, s1;
	[sflag:s0] =	ssyncset.done @!p0 $0x0  }
0x107: {  	[sflag:s0] =	ssyncadd.s32 @!p0 s1  }
0x108: {  	[bflag:$0x3] =	sbarrier.arrive $0xFFFF  }
0x109: {  	_ =	shalt  }

// kernel: sparse-core-data-format-call.cloned.1.call-start
scs
called_computation_lowered:
.L_overlay_start_0:
0x0: {  	s2 =	sld [smem:$0x3FD9]  }
0x1: {  	s3 =	sld [smem:$0x3FFE];
	_ =	sdelay $0x1  }
0x2: {  	s1 =	srdreg.scid  }
0x3: {  	s0 =	sand.u32 $0x1, s1  }
0x4: {  	s18 =	sshll.u32 s0, $0xA;
	s2 =	sadd.s32 s3, s2  }
0x5: {  	s2 =	sadd.s32 s2, s18  }
0x6: {  	[smem:$0x3FC6] =	sst s2  }
0x7: {  	_ = 	snop  }
0x8: {  	s2 =	sld [smem:$0x3FD0];
	(tm) =	ssettm $0x1  }
0x9: {  	s19 =	sld [smem:$0x3FFB];
	_ =	sdelay $0x3  }
0xa: {  	_ =	strace s19  }
0xb: {  	s3 =	sld [smem:$0x3FFC];
	_ =	sdelay $0x3  }
0xc: {  	_ =	strace s3  }
0xd: {  	s3 =	sld [smem:$0x3FFD];
	_ =	sdelay $0x3  }
0xe: {  	_ =	strace s3  }
0xf: {  	_ =	strace $0x8FFFFFFF  }
0x10: {  	s20 =	sld [smem:$0x3FDB];
	_ =	sdelay $0x1  }
0x11: {  	s4 =	simm.s32 $_scs_section_size  }
0x12: {  	s5 =	simm.s32 $_size__tile_overlayer_lowered;
	s6 =	simm.s32 $_tile_overlayer_lowered  }
0x13: {  	s23 =	simm.s32 $0x1BFF;
	s22 =	sshll.u32 s6, $0x1;
	s3 =	sadd.s32 s4, s20  }
0x14: {  	s7 =	simm.s32 $0x0;
	s21 =	sshll.u32 s5, $0x1;
	s5 =	sadd.s32 s22, s3  }
0x15: {  	[timem:s7], [sflag:s23] =	dma.local [hbm:s5], s21  }
0x16: {  	_ =	swait.ge [sflag:s23], s21  }
0x17: {  	s4 =	ssub.s32 $0x0, s21;
	[sflag:s23] =	ssyncset.done $0x0  }
0x18: {  	[sflag:s23] =	ssyncadd.s32 s4;
	_ =	sdelay $0x1  }
0x19: {  	s24 =	simm.s32 $0x1B8B  }
0x1a: {  	_ =	swait.ge [sflag:s24], $0x1  }
0x1b: {  	[sflag:s24] =	ssyncset.done $0x0  }
0x1c: {  	s26 =	simm.s32 $0x1B8E;
	s25 =	sld [smem:$0x3FFE];
	[sflag:s24] =	ssyncadd.s32 $0xFFFFFFFF  }
0x1d: {  	s27 =	simm.s32 $execute0_lowered;
	[smem:$0x3FD2] =	sst s26  }
0x1e: {  	s5 =	sshll.u32 s27, $0x1;
	_ =	strace $0x80000049;
	[dreg:$0x1] =	wrdreg $0xFFFFFFFF  }
0x1f: {  	s28 =	simm.s32 $_size_execute0_lowered;
	s3 =	sadd.s32 s3, s5;
	[dreg:$0x0] =	wrdreg $0x0  }
0x20: {  	s5 =	sshll.u32 s28, $0x1;
	[dreg:$0x2] =	wrdreg s3  }
0x21: {  	[dreg:$0x3] =	wrdreg s5  }
0x22: {  	[dreg:$0x4] =	wrdreg $0xC0  }
0x23: {  	_ =	task [dreg:s7], $0x5FFFF  }
0x24: {  	[dreg:$0x1] =	wrdreg $0xFFFFFFFF  }
0x25: {  	[dreg:$0x0] =	wrdreg $0x60  }
0x26: {  	[dreg:$0x2] =	wrdreg s25  }
0x27: {  	[dreg:$0x3] =	wrdreg s2  }
0x28: {  	[dreg:$0x4] =	wrdreg $0x9  }
0x29: {  	_ =	task.clear_ibuf [dreg:s7], $0x5FFFF;
	_ =	strace $0x90000049  }
0x2a: {  	s29 =	simm.s32 $0x9;
	_ =	strace $0x8000004B  }
0x2b: {  	_ =	swait.ge [sflag:s29], $0x1  }
0x2c: {  	[sflag:s29] =	ssyncadd.s32 $0xFFFFFFFF  }
0x2d: {  	_ =	strace $0x9000004B  }
0x2e: {  	_ =	sfence  }
0x2f: {  	s30 =	sld [smem:$0x0];
	_ =	sdelay $0x2  }
0x30: {  	s31 =	sshll.u32 s1, $0xD;
	s1 =	sshrl.u32 s1, $0x2  }
0x31: {  	s3 =	sand.u32 $0x4000, s31;
	s1 =	sadd.s32 s1, s30  }
0x32: {  	s0 =	sor.u32 s3, s0;
	s1 =	sshll.u32 s1, $0x11  }
0x33: {  	s0 =	sor.u32 s1, s0  }
0x34: {  	s0 =	sadd.s32 $0x8F2B, s0  }
0x35: {  	[sflag:s0] =	ssyncadd.remote.s32 $0x1  }
0x36: {  	_ =	sfence.sel $0xFFFF  }
0x37: {  	[dreg:$0x0] =	wrdreg $0xFFFFFFFF;
	(pc) =	sbr.abs _section_cstart, $3  }
0x38: {  	[dreg:$0x1] =	wrdreg $0xFFFFFFFF  }
0x39: {  	_ =	task.clear_ibuf [dreg:s7], $0x2FFFF;
	_ =	strace $0x9FFFFFFF  }
0x3a: {  	(tm) =	ssettm $0x7FFFFFFF  }
0x3b: {  	_ =	shalt  }
tec
execute0_lowered:
.L_overlay_start_1:
0x0: {  	(tag) =	ssettag $0x1  }
0x1: {  	s0 =	srdreg.scid  }
0x2: {  	s1 =	sshll.u32 s0, $0x4  }
0x3: {  	s0 =	stileid.u32;
	s1 =	sand.u32 $0x10, s1  }
0x4: {  	s1 =	sor.u32 s0, s1  }
0x5: {  	s6 =	rddreg [dreg:$0x0];
	s4 =	simm.s32 $0x1;
	s2 =	sshll.u32 s1, $0x7  }
0x6: {  	s7 =	simm.s32 $0x2;
	s12 =	simm.s32 $0x0;
	s1 =	ssub.s32 $0x1000, s2  }
0x7: {  	s8 =	simm.s32 $0x8000;
	s13 =	simm.s32 $0x0;
	s3 =	sand.u32 $0xF80, s1  }
0x8: {  	s9 =	simm.s32 $0x0;
	s5 =	sshrl.u32 s1, $0xC;
	p0 =	sne.s32 s3, $0x0  }
.Ltmp0:
0x9: {  	s1 =	rddreg [dreg:$0x2];
	s4 =	simm.s32 @!p0 $0x0;
	(pc) =	sbr.rel .LBB1_1-.Ltmp0, $4  }
0xa: {  	s11 =	simm.s32 $0x0;
	s3 =	rddreg [dreg:$0x1];
	s5 =	sadd.s32 s4, s5  }
0xb: {  	_ =	strace $0x8000004A;
	s4 =	simm.s32 $0x1;
	s5 =	smul.u32 $0xC8, s5  }
0xc: {  	s6 =	sadd.s32 $0xA00, s6;
	s10 =	smov.u32 s2;
	[sflag:s4] =	ssyncpa.u1 $0x0  }
0xd: {  	p0 =	por $0x0, $0x0;
	[sflag:s7] =	ssyncpa.u1 $0x0;
	s7 =	sor.u32 $0x1, s5  }
.LBB1_4:
0xe: {  	s16 =	sshll.u32 s13, $0x3;
	s17 =	sand.u32 $0x78, s13  }
0xf: {  	s30 =	sand.u32 $0x7E00, s13;
	s12 =	sshll.u32 s12, $0xF;
	s16 =	sand.u32 $0xC00, s16  }
0x10: {  	[tilespmem:s15+$0x810 ss:$0x81] =	vst.msk $0xffff, v2;
	s31 =	sand.u32 $0x7, s13;
	s16 =	sor.u32 s17, s16;
	s17 =	sadd.s32 s3, s30  }
0x11: {  	[tilespmem:s15+$0x1020 ss:$0x81] =	vst.msk $0xffff, v0;
	s13 =	sshll.u32 s31, $0x12;
	s12 =	sadd.s32 s12, s17;
	s16 =	sshrl.u32 s16, $0x3  }
0x12: {  	[tilespmem:s15+$0x0 ss:$0x81] =	vst.msk $0xffff, v1;
	s13 =	sor.u32 $0x400, s13;
	s12 =	sadd.s32 s16, s12  }
0x13: {  	[hbm4b:s12+s13] =	stream.strided.scatter [tilespmem:s14], [sflag:$0x2], $0x2000, s8, s13, $0x20;
	[tilespmem:$0x8080] =	vst v63  }
.LBB1_5:
0x14: {  	s14 =	sadd.s32 $0x1, s9  }
0x15: {  	s12 =	sadd.s32 $0x1000, s10;
	s16 =	smov.u32 s10;
	p2 =	sgt.s32 s14, $0xC7  }
0x16: {  	s16 =	smov.u32 @p2 s12  }
0x17: {  	s14 =	simm.s32 @p2 $0x0;
	p2 =	sgt.s32 s16, $0xFFF  }
0x18: {  	s16 =	smov.u32 @p2 s2;
	p2 =	sne.s32 s11, s7  }
.Ltmp1:
0x19: {  	p1 =	slt.u32 s11, $0x2;
	(pc) =	sbr.rel @!p2 .LBB1_6-.Ltmp1, $4  }
0x1a: {  	s15 =	simm.s32 @!p1 $0x2  }
0x1b: {  	s13 =	smov.u32 s10;
	p0 =	por !p0, !p0;
	_ =	swait.ge @!p1 [sflag:s15], $0x2000  }
0x1c: {  	s12 =	smov.u32 s9;
	[sflag:s15] =	ssyncset.done @!p1 $0x0;
	s9 =	smov.u32 s14  }
0x1d: {  	s11 =	sadd.s32 $0x1, s11;
	[sflag:s15] =	ssyncadd.s32 @!p1 $0xFFFFE000;
	s10 =	smov.u32 s16  }
.LBB1_1:
0x1e: {  	p1 =	sge.u32 s11, s5  }
0x1f: {  	s14 =	sand.u32 @!p1 $0x1FFFFFF, s9  }
0x20: {  	s15 =	smulhi.u32 @!p1 $0x147AE15, s14;
	_ =	sdelay $0x1  }
0x21: {  	s15 =	smul.u32 @!p1 $0xC8, s15  }
0x22: {  	s16 =	sxor.u32 @!p1 $0xFFFFFFFF, s11;
	s17 =	smul.u32 @!p1 $0xC80, s10  }
0x23: {  	s31 =	sadd.s32 $0xFFFFFFFF, s11;
	s16 =	sshll.u32 @!p1 s16, $0xD;
	s14 =	ssub.s32 @!p1 s14, s15  }
0x24: {  	s15 =	sand.u32 @!p1 $0x2000, s16;
	s16 =	sadd.s32 @!p1 s6, s17;
	s14 =	sshll.u32 @!p1 s14, $0x4  }
0x25: {  	s17 =	simm.s32 @!p1 $0x6400;
	s14 =	sadd.s32 @!p1 s14, s16;
	s16 =	simm.s32 @!p1 $0x40  }
0x26: {  	[tilespmem:s15], [sflag:$0x1] =	stream.strided.gather @!p1 [hbm4b:s14+s16], $0x2000, s17, s16, $0x38;
	[tilespmem:$0x8080] =	vst v63  }
0x27: {  	p1 =	sge.u32 s31, s5  }
.Ltmp2:
0x28: {  	_ = 	snop;
	(pc) =	sbr.rel @p1 .LBB1_5-.Ltmp2, $1  }
0x29: {  	_ =	sdelay $0x3  }
0x2a: {  	s14 =	simm.s32 $0x1  }
0x2b: {  	_ =	swait.ge [sflag:s4], $0x2000;
	s14 =	simm.s32 @!p0 $0x0  }
0x2c: {  	[sflag:s4] =	ssyncset.done $0x0;
	s15 =	sshll.u32 s14, $0xD  }
0x2d: {  	[sflag:s4] =	ssyncadd.s32 $0xFFFFE000;
	s18 =	sor.u32 $0x20, s15  }
0x2e: {  	s14 =	smul.u32 $0x8100, s14;
	v3 =	vld [tilespmem:s18+$0x10]  }
0x2f: {  	s30 =	sand.u32 $0x1, s11;
	v2 =	vld [tilespmem:s18+$0xFFFFFFF0]  }
0x30: {  	s15 =	smul.u32 $0x8100, s30;
	s14 =	sshrl.u32 s14, $0x2;
	v0 =	vld [tilespmem:s18+$0x0]  }
0x31: {  	v1 =	vld [tilespmem:s18+$0xFFFFFFE0];
	s16 =	sor.u32 $0x4000, s14  }
0x32: {  	s31 =	sshrl.u32 s15, $0x2;
	s15 =	sadd.s32 $0x0, s16  }
0x33: {  	s17 =	simm.s32 $0x4;
	s18 =	sadd.s32 $0x40, s18;
	s14 =	sor.u32 $0x4000, s31;
	[tilespmem:s15+$0x1830 ss:$0x81] =	vst.msk $0xffff, v3  }
.LBB1_3:
0x34: {  	v3 =	vld [tilespmem:s18+$0x10];
	p1 =	sne.s32 s17, $0x1FC;
	[tilespmem:s15+$0x810 ss:$0x81] =	vst.msk $0xffff, v2;
	s19 =	smov.u32 s17;
	s17 =	sadd.s32 $0x4, s17  }
.Ltmp3:
0x35: {  	v2 =	vld [tilespmem:s18+$0xFFFFFFF0];
	[tilespmem:s15+$0x1020 ss:$0x81] =	vst.msk $0xffff, v0;
	(pc) =	sbr.rel @p1 .LBB1_3-.Ltmp3, $4  }
0x36: {  	v0 =	vld [tilespmem:s18+$0x0];
	[tilespmem:s15+$0x0 ss:$0x81] =	vst.msk $0xffff, v1  }
0x37: {  	s15 =	sshra.s32 s19, $0x2;
	v1 =	vld [tilespmem:s18+$0xFFFFFFE0]  }
0x38: {  	s15 =	sadd.s32 s15, s16  }
0x39: {  	s18 =	sadd.s32 $0x40, s18;
	[tilespmem:s15+$0x1830 ss:$0x81] =	vst.msk $0xffff, v3  }
.Ltmp4:
0x3a: {  	_ = 	snop;
	(pc) =	sbr.rel .LBB1_4-.Ltmp4, $1  }
0x3b: {  	_ =	sdelay $0x3  }
.LBB1_6:
0x3c: {  	_ =	sfence.sel $0x180000  }
0x3d: {  	s2 =	simm.s32 $0x1;
	[bflag:$0x0] =	sbarrier.arrive $0xFFFF  }
0x3e: {  	s31 =	simm.s32 $0x2;
	[sflag:s2] =	ssyncpa.u1 $0x1  }
0x3f: {  	[sflag:s31] =	ssyncpa.u1 $0x1  }
0x40: {  	p0 =	sne.s32 s0, $0x0;
	_ =	strace $0x9000004A  }
0x41: {  	s0 =	sadd.s32 @!p0 $0x100000, s1;
	[bflag:$0x2] =	sbarrier.arrive $0xFFFF  }
0x42: {  	[sflag:s0] =	ssyncadd.tile.s32 @!p0 $0x1;
	_ =	shalt  }
.Lfunc_end1:
_tile_overlayer_lowered:
.L_overlay_start_2:
0x43: {  	(tag) =	ssettag $0x2  }
0x44: {  	s0 =	rddreg [dreg:$0x0];
	s2 =	stileid.u32  }
0x45: {  	s1 =	rddreg [dreg:$0x1];
	p0 =	sne.s32 s2, $0x0  }
0x46: {  	s3 =	rddreg [dreg:$0x2];
	[bflag:$0x3] =	sbarrier.arrive $0xFFFF;
	s2 =	simm.s32 @!p0 $0x1C01  }
0x47: {  	[timem:s3], [sflag:s2] =	dma.local @!p0 [hbm:s0], s1  }
0x48: {  	s0 =	simm.s32 @!p0 $0x1  }
0x49: {  	_ =	swait.ge @!p0 [sflag:s0], s1  }
0x4a: {  	s1 =	ssub.s32 @!p0 $0x0, s1;
	[sflag:s0] =	ssyncset.done @!p0 $0x0  }
0x4b: {  	[sflag:s0] =	ssyncadd.s32 @!p0 s1  }
0x4c: {  	[bflag:$0x3] =	sbarrier.arrive $0xFFFF  }
0x4d: {  	_ =	shalt  }

</sc_bundles>
